<compile_context>
chip_gen: v7x
topology: tpu7x:2x2x1
jax: 0.10.2.dev20260603
libtpu: 0.0.44.dev20260713+nightly
codegen_flags: <defaults>
</compile_context>

<pallas_src>
import functools

import jax
import jax.numpy as jnp
from jax import lax
from jax.experimental import pallas as pl
from jax.experimental.pallas import tpu as pltpu
from jax.experimental.pallas import tpu_sc as plsc

N = 10000
E = 320000
IN_DIM = 128
HID = 64
ZD = 32

NC = 2
NS = 16
NW = NC * NS
CH = 128
NCHUNK = 80
EPAD = NW * NCHUNK * CH
NPAD = 10240
RPS = NPAD // NS
DEGW = 8
NB = 4


def _worker_id():
    return lax.axis_index("s") * NC + lax.axis_index("c")


def _make_deg_kernel():
    mesh = plsc.VectorSubcoreMesh(core_axis_name="c", subcore_axis_name="s")

    @functools.partial(
        pl.kernel,
        mesh=mesh,
        out_type=jax.ShapeDtypeStruct((NC, NPAD, DEGW), jnp.float32),
        scratch_types=[
            pltpu.VMEM((NCHUNK, CH), jnp.int32),
            pltpu.VMEM((CH, DEGW), jnp.float32),
            pltpu.VMEM_SHARED((NPAD, DEGW), jnp.float32),
            pltpu.SemaphoreType.DMA,
            pltpu.SemaphoreType.DMA,
        ],
        compiler_params=pltpu.CompilerParams(use_tc_tiling_on_sc=False),
    )
    def deg_kernel(dst3_hbm, ones_hbm, zero_hbm, out_hbm,
                   didx_all, ones_v, deg_sh, sem_a, sem_b):
        c = lax.axis_index("c")
        s = lax.axis_index("s")
        w = _worker_id()
        pltpu.sync_copy(dst3_hbm.at[w], didx_all)
        pltpu.sync_copy(ones_hbm, ones_v)
        pltpu.sync_copy(zero_hbm, deg_sh.at[pl.ds(s * RPS, RPS)])
        plsc.subcore_barrier()

        pltpu.async_copy(ones_v, deg_sh.at[didx_all.at[0]], sem_a, add=True)
        pltpu.async_copy(ones_v, deg_sh.at[didx_all.at[1]], sem_b, add=True)

        def body(j, carry):
            pltpu.make_async_copy(ones_v, deg_sh.at[didx_all.at[0]],
                                  sem_a).wait()
            pltpu.async_copy(ones_v, deg_sh.at[didx_all.at[2 * j]],
                             sem_a, add=True)
            pltpu.make_async_copy(ones_v, deg_sh.at[didx_all.at[0]],
                                  sem_b).wait()
            pltpu.async_copy(ones_v, deg_sh.at[didx_all.at[2 * j + 1]],
                             sem_b, add=True)
            return carry

        lax.fori_loop(1, NCHUNK // 2, body, 0)
        pltpu.make_async_copy(ones_v, deg_sh.at[didx_all.at[0]], sem_a).wait()
        pltpu.make_async_copy(ones_v, deg_sh.at[didx_all.at[0]], sem_b).wait()
        plsc.subcore_barrier()
        pltpu.sync_copy(deg_sh.at[pl.ds(s * RPS, RPS)],
                        out_hbm.at[c, pl.ds(s * RPS, RPS)])

    return deg_kernel


def _make_mp_kernel(D):
    mesh = plsc.VectorSubcoreMesh(core_axis_name="c", subcore_axis_name="s")

    @functools.partial(
        pl.kernel,
        mesh=mesh,
        out_type=jax.ShapeDtypeStruct((NC, NPAD, D), jnp.float32),
        scratch_types=[
            pltpu.VMEM((NCHUNK, CH), jnp.int32),
            pltpu.VMEM((NCHUNK, CH), jnp.int32),
            [pltpu.VMEM((CH, D), jnp.float32)] * NB,
            pltpu.VMEM_SHARED((NPAD, D), jnp.float32),
            [pltpu.SemaphoreType.DMA] * NB,
            [pltpu.SemaphoreType.DMA] * NB,
        ],
        compiler_params=pltpu.CompilerParams(use_tc_tiling_on_sc=False),
    )
    def mp_kernel(g_hbm, src3_hbm, dst3_hbm, zero_hbm, out_hbm,
                  sidx_all, didx_all, rows, acc_sh, sem_g, sem_s):
        c = lax.axis_index("c")
        s = lax.axis_index("s")
        w = _worker_id()
        pltpu.sync_copy(src3_hbm.at[w], sidx_all)
        pltpu.sync_copy(dst3_hbm.at[w], didx_all)
        pltpu.sync_copy(zero_hbm, acc_sh.at[pl.ds(s * RPS, RPS)])
        plsc.subcore_barrier()

        def wait_g(b):
            pltpu.make_async_copy(g_hbm.at[sidx_all.at[0]], rows[b],
                                  sem_g[b]).wait()

        def wait_s(b):
            pltpu.make_async_copy(rows[b], acc_sh.at[didx_all.at[0]],
                                  sem_s[b]).wait()

        pltpu.async_copy(g_hbm.at[sidx_all.at[0]], rows[0], sem_g[0])

        def body(j, carry):
            i0 = 2 * j
            pltpu.async_copy(g_hbm.at[sidx_all.at[i0 + 1]], rows[1],
                             sem_g[1])
            wait_g(0)
            pltpu.sync_copy(rows[0], acc_sh.at[didx_all.at[i0]], add=True)
            pltpu.async_copy(g_hbm.at[sidx_all.at[i0 + 2]], rows[0],
                             sem_g[0])
            wait_g(1)
            pltpu.sync_copy(rows[1], acc_sh.at[didx_all.at[i0 + 1]],
                            add=True)
            return carry

        lax.fori_loop(0, NCHUNK // 2 - 1, body, 0)
        pltpu.async_copy(g_hbm.at[sidx_all.at[NCHUNK - 1]], rows[1],
                         sem_g[1])
        wait_g(0)
        pltpu.sync_copy(rows[0], acc_sh.at[didx_all.at[NCHUNK - 2]],
                        add=True)
        wait_g(1)
        pltpu.sync_copy(rows[1], acc_sh.at[didx_all.at[NCHUNK - 1]],
                        add=True)
        plsc.subcore_barrier()
        pltpu.sync_copy(acc_sh.at[pl.ds(s * RPS, RPS)],
                        out_hbm.at[c, pl.ds(s * RPS, RPS)])

    return mp_kernel


@functools.lru_cache(maxsize=None)
def _sc_kernels():
    return _make_deg_kernel(), _make_mp_kernel(HID), _make_mp_kernel(ZD)



R = 1000


def _tc1_body(x_ref, w1_ref, degp_ref, g_ref, dinv_ref):
    cnt = degp_ref[0, :, 0:1] + degp_ref[1, :, 0:1]
    dinv = lax.rsqrt(cnt + 1.0)
    h = jnp.dot(x_ref[...], w1_ref[...],
                preferred_element_type=jnp.float32)
    g_ref[...] = h * dinv
    dinv_ref[...] = dinv


def _tc2_body(accp_ref, g1_ref, dinv_ref, b1_ref, w2_ref, g2_ref):
    dinv = dinv_ref[...]
    a = (accp_ref[0] + accp_ref[1] + g1_ref[...]) * dinv + b1_ref[...]
    h = jnp.maximum(a, 0.0)
    g2_ref[...] = jnp.dot(h, w2_ref[...],
                          preferred_element_type=jnp.float32) * dinv


def _tc3_body(accp_ref, g2_ref, dinv_ref, b2_ref,
              wmu_ref, bmu_ref, wlv_ref, blv_ref, mu_ref, lv_ref):
    dinv = dinv_ref[...]
    hf = (accp_ref[0] + accp_ref[1] + g2_ref[...]) * dinv + b2_ref[...]
    mu_ref[...] = jnp.dot(hf, wmu_ref[...],
                          preferred_element_type=jnp.float32) + bmu_ref[...]
    lv_ref[...] = jnp.dot(hf, wlv_ref[...],
                          preferred_element_type=jnp.float32) + blv_ref[...]


def _row_spec(d):
    return pl.BlockSpec((R, d), lambda i: (i, 0))


def _full_spec(shape):
    nd = len(shape)
    return pl.BlockSpec(shape, lambda i: (0,) * nd)


def _tc1(x, W1, degp):
    return pl.pallas_call(
        _tc1_body,
        grid=(N // R,),
        in_specs=[
            _row_spec(IN_DIM),
            _full_spec((IN_DIM, HID)),
            pl.BlockSpec((NC, R, DEGW), lambda i: (0, i, 0)),
        ],
        out_specs=[_row_spec(HID), _row_spec(1)],
        out_shape=[
            jax.ShapeDtypeStruct((NPAD, HID), jnp.float32),
            jax.ShapeDtypeStruct((N, 1), jnp.float32),
        ],
    )(x, W1, degp)


def _tc2(accp, g1, dinv, b1, W2):
    return pl.pallas_call(
        _tc2_body,
        grid=(N // R,),
        in_specs=[
            pl.BlockSpec((NC, R, HID), lambda i: (0, i, 0)),
            _row_spec(HID),
            _row_spec(1),
            _full_spec((1, HID)),
            _full_spec((HID, ZD)),
        ],
        out_specs=_row_spec(ZD),
        out_shape=jax.ShapeDtypeStruct((NPAD, ZD), jnp.float32),
    )(accp, g1, dinv, b1, W2)


def _tc3(accp, g2, dinv, b2, Wmu, bmu, Wlv, blv):
    return pl.pallas_call(
        _tc3_body,
        grid=(N // R,),
        in_specs=[
            pl.BlockSpec((NC, R, ZD), lambda i: (0, i, 0)),
            _row_spec(ZD),
            _row_spec(1),
            _full_spec((1, ZD)),
            _full_spec((ZD, ZD)),
            _full_spec((1, ZD)),
            _full_spec((ZD, ZD)),
            _full_spec((1, ZD)),
        ],
        out_specs=[_row_spec(ZD), _row_spec(ZD)],
        out_shape=[
            jax.ShapeDtypeStruct((N, ZD), jnp.float32),
            jax.ShapeDtypeStruct((N, ZD), jnp.float32),
        ],
    )(accp, g2, dinv, b2, Wmu, bmu, Wlv, blv)


def kernel(x, edge_index, W1, b1, W2, b2, Wmu, bmu, Wlv, blv):
    pad = N + (jnp.arange(EPAD - E, dtype=jnp.int32) % (NPAD - N))
    src3 = jnp.concatenate([edge_index[0], pad]).reshape(NW, NCHUNK, CH)
    dst3 = jnp.concatenate([edge_index[1], pad]).reshape(NW, NCHUNK, CH)
    ones_deg = jnp.ones((CH, DEGW), jnp.float32)
    zero_deg = jnp.zeros((RPS, DEGW), jnp.float32)
    zero_hid = jnp.zeros((RPS, HID), jnp.float32)
    zero_z = jnp.zeros((RPS, ZD), jnp.float32)

    _deg_sc, _mp_sc_hid, _mp_sc_z = _sc_kernels()
    degp = _deg_sc(dst3, ones_deg, zero_deg)
    g1, dinv = _tc1(x, W1, degp)
    accp1 = _mp_sc_hid(g1, src3, dst3, zero_hid)
    g2 = _tc2(accp1, g1, dinv, b1.reshape(1, HID), W2)
    accp2 = _mp_sc_z(g2, src3, dst3, zero_z)
    mu, lv = _tc3(accp2, g2, dinv, b2.reshape(1, ZD),
                  Wmu, bmu.reshape(1, ZD), Wlv, blv.reshape(1, ZD))
    return (mu, lv)

# --- scband reference (transcript-rebuilt; emitter-appended) ---
"""Pipeline reference for scband-gencoder-69398081569223 (READ-ONLY COPY).

The authoritative reference and input builder live on the scoring server;
editing this copy changes nothing except your own understanding.
"""

import jax, jax.numpy as jnp
import numpy as np

N = 10000
E = 320000
IN_DIM = 128
HID = 64
Z = 32


def setup_inputs(seed: int = 0) -> dict:
    key = jax.random.key(seed)
    ks = jax.random.split(key, 12)
    x = jax.random.normal(ks[0], (N, IN_DIM), dtype=jnp.float32)
    edge_index = jax.random.randint(ks[1], (2, E), 0, N, dtype=jnp.int32)
    # GCNConv layer 1 params (PyG stores lin.weight [out,in]; here stored transposed for x @ W)
    W1 = jax.random.normal(ks[2], (IN_DIM, HID), dtype=jnp.float32) * (1.0 / np.sqrt(IN_DIM))
    b1 = jnp.zeros((HID,), dtype=jnp.float32)
    W2 = jax.random.normal(ks[3], (HID, Z), dtype=jnp.float32) * (1.0 / np.sqrt(HID))
    b2 = jnp.zeros((Z,), dtype=jnp.float32)
    Wmu = jax.random.normal(ks[4], (Z, Z), dtype=jnp.float32) * (1.0 / np.sqrt(Z))
    bmu = jax.random.normal(ks[5], (Z,), dtype=jnp.float32) * 0.01
    Wlv = jax.random.normal(ks[6], (Z, Z), dtype=jnp.float32) * (1.0 / np.sqrt(Z))
    blv = jax.random.normal(ks[7], (Z,), dtype=jnp.float32) * 0.01
    return {"x": x, "edge_index": edge_index, "W1": W1, "b1": b1, "W2": W2, "b2": b2,
            "Wmu": Wmu, "bmu": bmu, "Wlv": Wlv, "blv": blv}


def _gcn_conv(x, edge_index, W, b):
    # PyG GCNConv: add self-loops, symmetric normalization D^-1/2 A D^-1/2, linear, aggregate
    src = edge_index[0]
    dst = edge_index[1]
    loop = jnp.arange(N, dtype=edge_index.dtype)
    src = jnp.concatenate([src, loop])
    dst = jnp.concatenate([dst, loop])
    ones = jnp.ones(src.shape[0], dtype=x.dtype)
    deg = jax.ops.segment_sum(ones, dst, num_segments=N)
    deg_inv_sqrt = jax.lax.rsqrt(jnp.maximum(deg, 1e-12))
    norm = deg_inv_sqrt[src] * deg_inv_sqrt[dst]
    h = x @ W
    msg = h[src] * norm[:, None]
    out = jax.ops.segment_sum(msg, dst, num_segments=N)
    return out + b


def reference(x, edge_index, W1, b1, W2, b2, Wmu, bmu, Wlv, blv):
    h = jax.nn.relu(_gcn_conv(x, edge_index, W1, b1))
    h = _gcn_conv(h, edge_index, W2, b2)
    mu = h @ Wmu + bmu
    logvar = h @ Wlv + blv
    return (mu, logvar)

if __name__ == "__main__":
    import jax
    _d = setup_inputs()
    print(jax.jit(kernel)(*tuple(_d.values())))

</pallas_src>

<mosaic_0001>
#map = affine_map<(d0, d1) -> (0, 0, 0)>
#map1 = affine_map<(d0, d1) -> (0, 0)>
module attributes {stable_mosaic.version = 14 : i64} {
  func.func @deg_kernel(%arg0: i32, %arg1: i32, %arg2: memref<32x80x128xi32, #tpu.memory_space<hbm>>, %arg3: memref<128x8xf32, #tpu.memory_space<hbm>>, %arg4: memref<640x8xf32, #tpu.memory_space<hbm>>, %arg5: memref<2x10240x8xf32, #tpu.memory_space<hbm>>, %arg6: memref<80x128xi32, #tpu.memory_space<vmem>>, %arg7: memref<128x8xf32, #tpu.memory_space<vmem>>, %arg8: memref<10240x8xf32, #tpu.memory_space<vmem_shared>>, %arg9: memref<!tpu.dma_semaphore, #tpu.memory_space<semaphore_mem>>, %arg10: memref<!tpu.dma_semaphore, #tpu.memory_space<semaphore_mem>>) attributes {dimension_semantics = [#tpu.dimension_semantics<core_parallel>, #tpu.dimension_semantics<subcore_parallel>], iteration_bounds = array<i64: 2, 16>, scalar_prefetch = 0 : i64, scratch_operands = 5 : i64, tpu.core_type = #tpu.core_type<sc_vector_subcore>, window_params = [{transform_indices = #map}, {transform_indices = #map1}, {transform_indices = #map1}, {transform_indices = #map}]} {
    %mul3A = arith.constant 2 : i32
    %mul3A_0 = arith.muli %arg1, %mul3A : i32
    %add3A = arith.addi %mul3A_0, %arg0 : i32
    "tpu.region"() ({
      %run_scoped3A = tpu.sem_alloc : memref<!tpu.dma_semaphore, #tpu.memory_space<semaphore_mem>>
      %dma_start3A_39 = arith.constant 0 : i32
      %dma_start3A_40 = arith.constant 0 : i32
      %dma_start3A_41 = tpu.memref_slice %arg2[%add3A, %dma_start3A_39, %dma_start3A_40] : memref<32x80x128xi32, #tpu.memory_space<hbm>> -> memref<1x80x128xi32, #tpu.memory_space<hbm>>
      %dma_start3A_42 = tpu.memref_squeeze %dma_start3A_41 : memref<1x80x128xi32, #tpu.memory_space<hbm>> -> memref<80x128xi32, #tpu.memory_space<hbm>>
      %dma_start3A_43 = arith.constant 0 : i32
      %dma_start3A_44 = arith.constant 0 : i32
      %dma_start3A_45 = tpu.memref_slice %arg2[%add3A, %dma_start3A_43, %dma_start3A_44] : memref<32x80x128xi32, #tpu.memory_space<hbm>> -> memref<1x80x128xi32, #tpu.memory_space<hbm>>
      %dma_start3A_46 = tpu.memref_squeeze %dma_start3A_45 : memref<1x80x128xi32, #tpu.memory_space<hbm>> -> memref<80x128xi32, #tpu.memory_space<hbm>>
      tpu.enqueue_dma source(%dma_start3A_46 : memref<80x128xi32, #tpu.memory_space<hbm>>) target(%arg6 : memref<80x128xi32, #tpu.memory_space<vmem>>) target_semaphore(%run_scoped3A : memref<!tpu.dma_semaphore, #tpu.memory_space<semaphore_mem>>)
      %dma_wait3A_47 = arith.constant 0 : i32
      %dma_wait3A_48 = arith.constant 0 : i32
      %dma_wait3A_49 = tpu.memref_slice %arg2[%add3A, %dma_wait3A_47, %dma_wait3A_48] : memref<32x80x128xi32, #tpu.memory_space<hbm>> -> memref<1x80x128xi32, #tpu.memory_space<hbm>>
      %dma_wait3A_50 = tpu.memref_squeeze %dma_wait3A_49 : memref<1x80x128xi32, #tpu.memory_space<hbm>> -> memref<80x128xi32, #tpu.memory_space<hbm>>
      %dma_wait3A_51 = arith.constant 0 : i32
      %dma_wait3A_52 = arith.constant 0 : i32
      %dma_wait3A_53 = tpu.memref_slice %arg2[%add3A, %dma_wait3A_51, %dma_wait3A_52] : memref<32x80x128xi32, #tpu.memory_space<hbm>> -> memref<1x80x128xi32, #tpu.memory_space<hbm>>
      %dma_wait3A_54 = tpu.memref_squeeze %dma_wait3A_53 : memref<1x80x128xi32, #tpu.memory_space<hbm>> -> memref<80x128xi32, #tpu.memory_space<hbm>>
      tpu.wait_dma2 semaphore(%run_scoped3A : memref<!tpu.dma_semaphore, #tpu.memory_space<semaphore_mem>>) src(%dma_wait3A_54 : memref<80x128xi32, #tpu.memory_space<hbm>>) dst(%arg6 : memref<80x128xi32, #tpu.memory_space<vmem>>)
      tpu.yield
    }) : () -> ()
    "tpu.region"() ({
      %run_scoped3A = tpu.sem_alloc : memref<!tpu.dma_semaphore, #tpu.memory_space<semaphore_mem>>
      tpu.enqueue_dma source(%arg3 : memref<128x8xf32, #tpu.memory_space<hbm>>) target(%arg7 : memref<128x8xf32, #tpu.memory_space<vmem>>) target_semaphore(%run_scoped3A : memref<!tpu.dma_semaphore, #tpu.memory_space<semaphore_mem>>)
      tpu.wait_dma2 semaphore(%run_scoped3A : memref<!tpu.dma_semaphore, #tpu.memory_space<semaphore_mem>>) src(%arg3 : memref<128x8xf32, #tpu.memory_space<hbm>>) dst(%arg7 : memref<128x8xf32, #tpu.memory_space<vmem>>)
      tpu.yield
    }) : () -> ()
    %mul3A_1 = arith.constant 640 : i32
    %mul3A_2 = arith.muli %arg1, %mul3A_1 : i32
    "tpu.region"() ({
      %run_scoped3A = tpu.sem_alloc : memref<!tpu.dma_semaphore, #tpu.memory_space<semaphore_mem>>
      %dma_start3A_39 = arith.constant 0 : i32
      %dma_start3A_40 = tpu.memref_slice %arg8[%mul3A_2, %dma_start3A_39] : memref<10240x8xf32, #tpu.memory_space<vmem_shared>> -> memref<640x8xf32, #tpu.memory_space<vmem_shared>>
      tpu.enqueue_dma source(%arg4 : memref<640x8xf32, #tpu.memory_space<hbm>>) target(%dma_start3A_40 : memref<640x8xf32, #tpu.memory_space<vmem_shared>>) target_semaphore(%run_scoped3A : memref<!tpu.dma_semaphore, #tpu.memory_space<semaphore_mem>>)
      %dma_wait3A_41 = arith.constant 0 : i32
      %dma_wait3A_42 = tpu.memref_slice %arg8[%mul3A_2, %dma_wait3A_41] : memref<10240x8xf32, #tpu.memory_space<vmem_shared>> -> memref<640x8xf32, #tpu.memory_space<vmem_shared>>
      tpu.wait_dma2 semaphore(%run_scoped3A : memref<!tpu.dma_semaphore, #tpu.memory_space<semaphore_mem>>) src(%arg4 : memref<640x8xf32, #tpu.memory_space<hbm>>) dst(%dma_wait3A_42 : memref<640x8xf32, #tpu.memory_space<vmem_shared>>)
      tpu.yield
    }) : () -> ()
    %barrier3A = arith.constant 0 : index
    tpu.barrier barrier_id(%barrier3A)
    %dma_start3A = arith.constant 0 : i32
    %dma_start3A_3 = arith.constant 0 : i32
    %dma_start3A_4 = tpu.memref_slice %arg6[%dma_start3A, %dma_start3A_3] : memref<80x128xi32, #tpu.memory_space<vmem>> -> memref<1x128xi32, #tpu.memory_space<vmem>>
    %dma_start3A_5 = tpu.memref_squeeze %dma_start3A_4 : memref<1x128xi32, #tpu.memory_space<vmem>> -> memref<128xi32, #tpu.memory_space<vmem>>
    %dma_start3A_6 = arith.constant 0 : i32
    %dma_start3A_7 = arith.constant 0 : i32
    %dma_start3A_8 = tpu.memref_slice %arg8[%dma_start3A_6, %dma_start3A_7] : memref<10240x8xf32, #tpu.memory_space<vmem_shared>> -> memref<10240x8xf32, #tpu.memory_space<vmem_shared>>
    tpu.enqueue_indirect_dma source(%arg7 : memref<128x8xf32, #tpu.memory_space<vmem>>) target(%dma_start3A_8 : memref<10240x8xf32, #tpu.memory_space<vmem_shared>>) offsets(%dma_start3A_5 : memref<128xi32, #tpu.memory_space<vmem>>) semaphore(%arg9 : memref<!tpu.dma_semaphore, #tpu.memory_space<semaphore_mem>>) {add = true}
    %dma_start3A_9 = arith.constant 1 : i32
    %dma_start3A_10 = arith.constant 0 : i32
    %dma_start3A_11 = tpu.memref_slice %arg6[%dma_start3A_9, %dma_start3A_10] : memref<80x128xi32, #tpu.memory_space<vmem>> -> memref<1x128xi32, #tpu.memory_space<vmem>>
    %dma_start3A_12 = tpu.memref_squeeze %dma_start3A_11 : memref<1x128xi32, #tpu.memory_space<vmem>> -> memref<128xi32, #tpu.memory_space<vmem>>
    %dma_start3A_13 = arith.constant 0 : i32
    %dma_start3A_14 = arith.constant 0 : i32
    %dma_start3A_15 = tpu.memref_slice %arg8[%dma_start3A_13, %dma_start3A_14] : memref<10240x8xf32, #tpu.memory_space<vmem_shared>> -> memref<10240x8xf32, #tpu.memory_space<vmem_shared>>
    tpu.enqueue_indirect_dma source(%arg7 : memref<128x8xf32, #tpu.memory_space<vmem>>) target(%dma_start3A_15 : memref<10240x8xf32, #tpu.memory_space<vmem_shared>>) offsets(%dma_start3A_12 : memref<128xi32, #tpu.memory_space<vmem>>) semaphore(%arg10 : memref<!tpu.dma_semaphore, #tpu.memory_space<semaphore_mem>>) {add = true}
    %scan3A = arith.constant 0 : i32
    %scan3A_16 = arith.constant 1 : i32
    %scan3A_17 = arith.constant 39 : i32
    %scan3A_18 = arith.addi %scan3A_16, %scan3A_17 : i32
    %scan3A_19 = arith.constant 1 : i32
    scf.for %scan3A_39 = %scan3A_16 to %scan3A_18 step %scan3A_19  : i32 {
      %dma_wait3A_40 = arith.constant 0 : i32
      %dma_wait3A_41 = arith.constant 0 : i32
      %dma_wait3A_42 = tpu.memref_slice %arg6[%dma_wait3A_40, %dma_wait3A_41] : memref<80x128xi32, #tpu.memory_space<vmem>> -> memref<1x128xi32, #tpu.memory_space<vmem>>
      %dma_wait3A_43 = tpu.memref_squeeze %dma_wait3A_42 : memref<1x128xi32, #tpu.memory_space<vmem>> -> memref<128xi32, #tpu.memory_space<vmem>>
      %dma_wait3A_44 = arith.constant 0 : i32
      %dma_wait3A_45 = arith.constant 0 : i32
      %dma_wait3A_46 = tpu.memref_slice %arg8[%dma_wait3A_44, %dma_wait3A_45] : memref<10240x8xf32, #tpu.memory_space<vmem_shared>> -> memref<10240x8xf32, #tpu.memory_space<vmem_shared>>
      tpu.wait_indirect_dma semaphore(%arg9 : memref<!tpu.dma_semaphore, #tpu.memory_space<semaphore_mem>>) src(%arg7 : memref<128x8xf32, #tpu.memory_space<vmem>>) dst(%dma_wait3A_46 : memref<10240x8xf32, #tpu.memory_space<vmem_shared>>)
      %mul3A_47 = arith.constant 2 : i32
      %mul3A_48 = arith.muli %mul3A_47, %scan3A_39 : i32
      %dma_start3A_49 = arith.constant 0 : i32
      %dma_start3A_50 = tpu.memref_slice %arg6[%mul3A_48, %dma_start3A_49] : memref<80x128xi32, #tpu.memory_space<vmem>> -> memref<1x128xi32, #tpu.memory_space<vmem>>
      %dma_start3A_51 = tpu.memref_squeeze %dma_start3A_50 : memref<1x128xi32, #tpu.memory_space<vmem>> -> memref<128xi32, #tpu.memory_space<vmem>>
      %dma_start3A_52 = arith.constant 0 : i32
      %dma_start3A_53 = arith.constant 0 : i32
      %dma_start3A_54 = tpu.memref_slice %arg8[%dma_start3A_52, %dma_start3A_53] : memref<10240x8xf32, #tpu.memory_space<vmem_shared>> -> memref<10240x8xf32, #tpu.memory_space<vmem_shared>>
      tpu.enqueue_indirect_dma source(%arg7 : memref<128x8xf32, #tpu.memory_space<vmem>>) target(%dma_start3A_54 : memref<10240x8xf32, #tpu.memory_space<vmem_shared>>) offsets(%dma_start3A_51 : memref<128xi32, #tpu.memory_space<vmem>>) semaphore(%arg9 : memref<!tpu.dma_semaphore, #tpu.memory_space<semaphore_mem>>) {add = true}
      %dma_wait3A_55 = arith.constant 0 : i32
      %dma_wait3A_56 = arith.constant 0 : i32
      %dma_wait3A_57 = tpu.memref_slice %arg6[%dma_wait3A_55, %dma_wait3A_56] : memref<80x128xi32, #tpu.memory_space<vmem>> -> memref<1x128xi32, #tpu.memory_space<vmem>>
      %dma_wait3A_58 = tpu.memref_squeeze %dma_wait3A_57 : memref<1x128xi32, #tpu.memory_space<vmem>> -> memref<128xi32, #tpu.memory_space<vmem>>
      %dma_wait3A_59 = arith.constant 0 : i32
      %dma_wait3A_60 = arith.constant 0 : i32
      %dma_wait3A_61 = tpu.memref_slice %arg8[%dma_wait3A_59, %dma_wait3A_60] : memref<10240x8xf32, #tpu.memory_space<vmem_shared>> -> memref<10240x8xf32, #tpu.memory_space<vmem_shared>>
      tpu.wait_indirect_dma semaphore(%arg10 : memref<!tpu.dma_semaphore, #tpu.memory_space<semaphore_mem>>) src(%arg7 : memref<128x8xf32, #tpu.memory_space<vmem>>) dst(%dma_wait3A_61 : memref<10240x8xf32, #tpu.memory_space<vmem_shared>>)
      %mul3A_62 = arith.constant 2 : i32
      %mul3A_63 = arith.muli %mul3A_62, %scan3A_39 : i32
      %add3A_64 = arith.constant 1 : i32
      %add3A_65 = arith.addi %mul3A_63, %add3A_64 : i32
      %dma_start3A_66 = arith.constant 0 : i32
      %dma_start3A_67 = tpu.memref_slice %arg6[%add3A_65, %dma_start3A_66] : memref<80x128xi32, #tpu.memory_space<vmem>> -> memref<1x128xi32, #tpu.memory_space<vmem>>
      %dma_start3A_68 = tpu.memref_squeeze %dma_start3A_67 : memref<1x128xi32, #tpu.memory_space<vmem>> -> memref<128xi32, #tpu.memory_space<vmem>>
      %dma_start3A_69 = arith.constant 0 : i32
      %dma_start3A_70 = arith.constant 0 : i32
      %dma_start3A_71 = tpu.memref_slice %arg8[%dma_start3A_69, %dma_start3A_70] : memref<10240x8xf32, #tpu.memory_space<vmem_shared>> -> memref<10240x8xf32, #tpu.memory_space<vmem_shared>>
      tpu.enqueue_indirect_dma source(%arg7 : memref<128x8xf32, #tpu.memory_space<vmem>>) target(%dma_start3A_71 : memref<10240x8xf32, #tpu.memory_space<vmem_shared>>) offsets(%dma_start3A_68 : memref<128xi32, #tpu.memory_space<vmem>>) semaphore(%arg10 : memref<!tpu.dma_semaphore, #tpu.memory_space<semaphore_mem>>) {add = true}
    }
    %scan3A_20 = arith.constant 39 : i32
    %dma_wait3A = arith.constant 0 : i32
    %dma_wait3A_21 = arith.constant 0 : i32
    %dma_wait3A_22 = tpu.memref_slice %arg6[%dma_wait3A, %dma_wait3A_21] : memref<80x128xi32, #tpu.memory_space<vmem>> -> memref<1x128xi32, #tpu.memory_space<vmem>>
    %dma_wait3A_23 = tpu.memref_squeeze %dma_wait3A_22 : memref<1x128xi32, #tpu.memory_space<vmem>> -> memref<128xi32, #tpu.memory_space<vmem>>
    %dma_wait3A_24 = arith.constant 0 : i32
    %dma_wait3A_25 = arith.constant 0 : i32
    %dma_wait3A_26 = tpu.memref_slice %arg8[%dma_wait3A_24, %dma_wait3A_25] : memref<10240x8xf32, #tpu.memory_space<vmem_shared>> -> memref<10240x8xf32, #tpu.memory_space<vmem_shared>>
    tpu.wait_indirect_dma semaphore(%arg9 : memref<!tpu.dma_semaphore, #tpu.memory_space<semaphore_mem>>) src(%arg7 : memref<128x8xf32, #tpu.memory_space<vmem>>) dst(%dma_wait3A_26 : memref<10240x8xf32, #tpu.memory_space<vmem_shared>>)
    %dma_wait3A_27 = arith.constant 0 : i32
    %dma_wait3A_28 = arith.constant 0 : i32
    %dma_wait3A_29 = tpu.memref_slice %arg6[%dma_wait3A_27, %dma_wait3A_28] : memref<80x128xi32, #tpu.memory_space<vmem>> -> memref<1x128xi32, #tpu.memory_space<vmem>>
    %dma_wait3A_30 = tpu.memref_squeeze %dma_wait3A_29 : memref<1x128xi32, #tpu.memory_space<vmem>> -> memref<128xi32, #tpu.memory_space<vmem>>
    %dma_wait3A_31 = arith.constant 0 : i32
    %dma_wait3A_32 = arith.constant 0 : i32
    %dma_wait3A_33 = tpu.memref_slice %arg8[%dma_wait3A_31, %dma_wait3A_32] : memref<10240x8xf32, #tpu.memory_space<vmem_shared>> -> memref<10240x8xf32, #tpu.memory_space<vmem_shared>>
    tpu.wait_indirect_dma semaphore(%arg10 : memref<!tpu.dma_semaphore, #tpu.memory_space<semaphore_mem>>) src(%arg7 : memref<128x8xf32, #tpu.memory_space<vmem>>) dst(%dma_wait3A_33 : memref<10240x8xf32, #tpu.memory_space<vmem_shared>>)
    %barrier3A_34 = arith.constant 0 : index
    tpu.barrier barrier_id(%barrier3A_34)
    %mul3A_35 = arith.constant 640 : i32
    %mul3A_36 = arith.muli %arg1, %mul3A_35 : i32
    %mul3A_37 = arith.constant 640 : i32
    %mul3A_38 = arith.muli %arg1, %mul3A_37 : i32
    "tpu.region"() ({
      %run_scoped3A = tpu.sem_alloc : memref<!tpu.dma_semaphore, #tpu.memory_space<semaphore_mem>>
      %dma_start3A_39 = arith.constant 0 : i32
      %dma_start3A_40 = tpu.memref_slice %arg5[%arg0, %mul3A_38, %dma_start3A_39] : memref<2x10240x8xf32, #tpu.memory_space<hbm>> -> memref<1x640x8xf32, #tpu.memory_space<hbm>>
      %dma_start3A_41 = tpu.memref_squeeze %dma_start3A_40 : memref<1x640x8xf32, #tpu.memory_space<hbm>> -> memref<640x8xf32, #tpu.memory_space<hbm>>
      %dma_start3A_42 = arith.constant 0 : i32
      %dma_start3A_43 = tpu.memref_slice %arg8[%mul3A_36, %dma_start3A_42] : memref<10240x8xf32, #tpu.memory_space<vmem_shared>> -> memref<640x8xf32, #tpu.memory_space<vmem_shared>>
      tpu.enqueue_dma source(%dma_start3A_43 : memref<640x8xf32, #tpu.memory_space<vmem_shared>>) target(%dma_start3A_41 : memref<640x8xf32, #tpu.memory_space<hbm>>) target_semaphore(%run_scoped3A : memref<!tpu.dma_semaphore, #tpu.memory_space<semaphore_mem>>)
      %dma_wait3A_44 = arith.constant 0 : i32
      %dma_wait3A_45 = tpu.memref_slice %arg5[%arg0, %mul3A_38, %dma_wait3A_44] : memref<2x10240x8xf32, #tpu.memory_space<hbm>> -> memref<1x640x8xf32, #tpu.memory_space<hbm>>
      %dma_wait3A_46 = tpu.memref_squeeze %dma_wait3A_45 : memref<1x640x8xf32, #tpu.memory_space<hbm>> -> memref<640x8xf32, #tpu.memory_space<hbm>>
      %dma_wait3A_47 = arith.constant 0 : i32
      %dma_wait3A_48 = tpu.memref_slice %arg8[%mul3A_36, %dma_wait3A_47] : memref<10240x8xf32, #tpu.memory_space<vmem_shared>> -> memref<640x8xf32, #tpu.memory_space<vmem_shared>>
      tpu.wait_dma2 semaphore(%run_scoped3A : memref<!tpu.dma_semaphore, #tpu.memory_space<semaphore_mem>>) src(%dma_wait3A_48 : memref<640x8xf32, #tpu.memory_space<vmem_shared>>) dst(%dma_wait3A_46 : memref<640x8xf32, #tpu.memory_space<hbm>>)
      tpu.yield
    }) : () -> ()
    return
  }
}

#map = affine_map<(d0, d1) -> (0, 0)>
#map1 = affine_map<(d0, d1) -> (0, 0, 0)>
module attributes {stable_mosaic.version = 14 : i64} {
  func.func @mp_kernel(%arg0: i32, %arg1: i32, %arg2: memref<10240x64xf32, #tpu.memory_space<hbm>>, %arg3: memref<32x80x128xi32, #tpu.memory_space<hbm>>, %arg4: memref<32x80x128xi32, #tpu.memory_space<hbm>>, %arg5: memref<640x64xf32, #tpu.memory_space<hbm>>, %arg6: memref<2x10240x64xf32, #tpu.memory_space<hbm>>, %arg7: memref<80x128xi32, #tpu.memory_space<vmem>>, %arg8: memref<80x128xi32, #tpu.memory_space<vmem>>, %arg9: memref<128x64xf32, #tpu.memory_space<vmem>>, %arg10: memref<128x64xf32, #tpu.memory_space<vmem>>, %arg11: memref<128x64xf32, #tpu.memory_space<vmem>>, %arg12: memref<128x64xf32, #tpu.memory_space<vmem>>, %arg13: memref<10240x64xf32, #tpu.memory_space<vmem_shared>>, %arg14: memref<!tpu.dma_semaphore, #tpu.memory_space<semaphore_mem>>, %arg15: memref<!tpu.dma_semaphore, #tpu.memory_space<semaphore_mem>>, %arg16: memref<!tpu.dma_semaphore, #tpu.memory_space<semaphore_mem>>, %arg17: memref<!tpu.dma_semaphore, #tpu.memory_space<semaphore_mem>>, %arg18: memref<!tpu.dma_semaphore, #tpu.memory_space<semaphore_mem>>, %arg19: memref<!tpu.dma_semaphore, #tpu.memory_space<semaphore_mem>>, %arg20: memref<!tpu.dma_semaphore, #tpu.memory_space<semaphore_mem>>, %arg21: memref<!tpu.dma_semaphore, #tpu.memory_space<semaphore_mem>>) attributes {dimension_semantics = [#tpu.dimension_semantics<core_parallel>, #tpu.dimension_semantics<subcore_parallel>], iteration_bounds = array<i64: 2, 16>, scalar_prefetch = 0 : i64, scratch_operands = 15 : i64, tpu.core_type = #tpu.core_type<sc_vector_subcore>, window_params = [{transform_indices = #map}, {transform_indices = #map1}, {transform_indices = #map1}, {transform_indices = #map}, {transform_indices = #map1}]} {
    %mul3A = arith.constant 2 : i32
    %mul3A_0 = arith.muli %arg1, %mul3A : i32
    %add3A = arith.addi %mul3A_0, %arg0 : i32
    "tpu.region"() ({
      %run_scoped3A_40 = tpu.sem_alloc : memref<!tpu.dma_semaphore, #tpu.memory_space<semaphore_mem>>
      %dma_start3A_41 = arith.constant 0 : i32
      %dma_start3A_42 = arith.constant 0 : i32
      %dma_start3A_43 = tpu.memref_slice %arg3[%add3A, %dma_start3A_41, %dma_start3A_42] : memref<32x80x128xi32, #tpu.memory_space<hbm>> -> memref<1x80x128xi32, #tpu.memory_space<hbm>>
      %dma_start3A_44 = tpu.memref_squeeze %dma_start3A_43 : memref<1x80x128xi32, #tpu.memory_space<hbm>> -> memref<80x128xi32, #tpu.memory_space<hbm>>
      %dma_start3A_45 = arith.constant 0 : i32
      %dma_start3A_46 = arith.constant 0 : i32
      %dma_start3A_47 = tpu.memref_slice %arg3[%add3A, %dma_start3A_45, %dma_start3A_46] : memref<32x80x128xi32, #tpu.memory_space<hbm>> -> memref<1x80x128xi32, #tpu.memory_space<hbm>>
      %dma_start3A_48 = tpu.memref_squeeze %dma_start3A_47 : memref<1x80x128xi32, #tpu.memory_space<hbm>> -> memref<80x128xi32, #tpu.memory_space<hbm>>
      tpu.enqueue_dma source(%dma_start3A_48 : memref<80x128xi32, #tpu.memory_space<hbm>>) target(%arg7 : memref<80x128xi32, #tpu.memory_space<vmem>>) target_semaphore(%run_scoped3A_40 : memref<!tpu.dma_semaphore, #tpu.memory_space<semaphore_mem>>)
      %dma_wait3A_49 = arith.constant 0 : i32
      %dma_wait3A_50 = arith.constant 0 : i32
      %dma_wait3A_51 = tpu.memref_slice %arg3[%add3A, %dma_wait3A_49, %dma_wait3A_50] : memref<32x80x128xi32, #tpu.memory_space<hbm>> -> memref<1x80x128xi32, #tpu.memory_space<hbm>>
      %dma_wait3A_52 = tpu.memref_squeeze %dma_wait3A_51 : memref<1x80x128xi32, #tpu.memory_space<hbm>> -> memref<80x128xi32, #tpu.memory_space<hbm>>
      %dma_wait3A_53 = arith.constant 0 : i32
      %dma_wait3A_54 = arith.constant 0 : i32
      %dma_wait3A_55 = tpu.memref_slice %arg3[%add3A, %dma_wait3A_53, %dma_wait3A_54] : memref<32x80x128xi32, #tpu.memory_space<hbm>> -> memref<1x80x128xi32, #tpu.memory_space<hbm>>
      %dma_wait3A_56 = tpu.memref_squeeze %dma_wait3A_55 : memref<1x80x128xi32, #tpu.memory_space<hbm>> -> memref<80x128xi32, #tpu.memory_space<hbm>>
      tpu.wait_dma2 semaphore(%run_scoped3A_40 : memref<!tpu.dma_semaphore, #tpu.memory_space<semaphore_mem>>) src(%dma_wait3A_56 : memref<80x128xi32, #tpu.memory_space<hbm>>) dst(%arg7 : memref<80x128xi32, #tpu.memory_space<vmem>>)
      tpu.yield
    }) : () -> ()
    "tpu.region"() ({
      %run_scoped3A_40 = tpu.sem_alloc : memref<!tpu.dma_semaphore, #tpu.memory_space<semaphore_mem>>
      %dma_start3A_41 = arith.constant 0 : i32
      %dma_start3A_42 = arith.constant 0 : i32
      %dma_start3A_43 = tpu.memref_slice %arg4[%add3A, %dma_start3A_41, %dma_start3A_42] : memref<32x80x128xi32, #tpu.memory_space<hbm>> -> memref<1x80x128xi32, #tpu.memory_space<hbm>>
      %dma_start3A_44 = tpu.memref_squeeze %dma_start3A_43 : memref<1x80x128xi32, #tpu.memory_space<hbm>> -> memref<80x128xi32, #tpu.memory_space<hbm>>
      %dma_start3A_45 = arith.constant 0 : i32
      %dma_start3A_46 = arith.constant 0 : i32
      %dma_start3A_47 = tpu.memref_slice %arg4[%add3A, %dma_start3A_45, %dma_start3A_46] : memref<32x80x128xi32, #tpu.memory_space<hbm>> -> memref<1x80x128xi32, #tpu.memory_space<hbm>>
      %dma_start3A_48 = tpu.memref_squeeze %dma_start3A_47 : memref<1x80x128xi32, #tpu.memory_space<hbm>> -> memref<80x128xi32, #tpu.memory_space<hbm>>
      tpu.enqueue_dma source(%dma_start3A_48 : memref<80x128xi32, #tpu.memory_space<hbm>>) target(%arg8 : memref<80x128xi32, #tpu.memory_space<vmem>>) target_semaphore(%run_scoped3A_40 : memref<!tpu.dma_semaphore, #tpu.memory_space<semaphore_mem>>)
      %dma_wait3A_49 = arith.constant 0 : i32
      %dma_wait3A_50 = arith.constant 0 : i32
      %dma_wait3A_51 = tpu.memref_slice %arg4[%add3A, %dma_wait3A_49, %dma_wait3A_50] : memref<32x80x128xi32, #tpu.memory_space<hbm>> -> memref<1x80x128xi32, #tpu.memory_space<hbm>>
      %dma_wait3A_52 = tpu.memref_squeeze %dma_wait3A_51 : memref<1x80x128xi32, #tpu.memory_space<hbm>> -> memref<80x128xi32, #tpu.memory_space<hbm>>
      %dma_wait3A_53 = arith.constant 0 : i32
      %dma_wait3A_54 = arith.constant 0 : i32
      %dma_wait3A_55 = tpu.memref_slice %arg4[%add3A, %dma_wait3A_53, %dma_wait3A_54] : memref<32x80x128xi32, #tpu.memory_space<hbm>> -> memref<1x80x128xi32, #tpu.memory_space<hbm>>
      %dma_wait3A_56 = tpu.memref_squeeze %dma_wait3A_55 : memref<1x80x128xi32, #tpu.memory_space<hbm>> -> memref<80x128xi32, #tpu.memory_space<hbm>>
      tpu.wait_dma2 semaphore(%run_scoped3A_40 : memref<!tpu.dma_semaphore, #tpu.memory_space<semaphore_mem>>) src(%dma_wait3A_56 : memref<80x128xi32, #tpu.memory_space<hbm>>) dst(%arg8 : memref<80x128xi32, #tpu.memory_space<vmem>>)
      tpu.yield
    }) : () -> ()
    %mul3A_1 = arith.constant 640 : i32
    %mul3A_2 = arith.muli %arg1, %mul3A_1 : i32
    "tpu.region"() ({
      %run_scoped3A_40 = tpu.sem_alloc : memref<!tpu.dma_semaphore, #tpu.memory_space<semaphore_mem>>
      %dma_start3A_41 = arith.constant 0 : i32
      %dma_start3A_42 = tpu.memref_slice %arg13[%mul3A_2, %dma_start3A_41] : memref<10240x64xf32, #tpu.memory_space<vmem_shared>> -> memref<640x64xf32, #tpu.memory_space<vmem_shared>>
      tpu.enqueue_dma source(%arg5 : memref<640x64xf32, #tpu.memory_space<hbm>>) target(%dma_start3A_42 : memref<640x64xf32, #tpu.memory_space<vmem_shared>>) target_semaphore(%run_scoped3A_40 : memref<!tpu.dma_semaphore, #tpu.memory_space<semaphore_mem>>)
      %dma_wait3A_43 = arith.constant 0 : i32
      %dma_wait3A_44 = tpu.memref_slice %arg13[%mul3A_2, %dma_wait3A_43] : memref<10240x64xf32, #tpu.memory_space<vmem_shared>> -> memref<640x64xf32, #tpu.memory_space<vmem_shared>>
      tpu.wait_dma2 semaphore(%run_scoped3A_40 : memref<!tpu.dma_semaphore, #tpu.memory_space<semaphore_mem>>) src(%arg5 : memref<640x64xf32, #tpu.memory_space<hbm>>) dst(%dma_wait3A_44 : memref<640x64xf32, #tpu.memory_space<vmem_shared>>)
      tpu.yield
    }) : () -> ()
    %barrier3A = arith.constant 0 : index
    tpu.barrier barrier_id(%barrier3A)
    %dma_start3A = arith.constant 0 : i32
    %dma_start3A_3 = arith.constant 0 : i32
    %dma_start3A_4 = tpu.memref_slice %arg7[%dma_start3A, %dma_start3A_3] : memref<80x128xi32, #tpu.memory_space<vmem>> -> memref<1x128xi32, #tpu.memory_space<vmem>>
    %dma_start3A_5 = tpu.memref_squeeze %dma_start3A_4 : memref<1x128xi32, #tpu.memory_space<vmem>> -> memref<128xi32, #tpu.memory_space<vmem>>
    %dma_start3A_6 = arith.constant 0 : i32
    %dma_start3A_7 = arith.constant 0 : i32
    %dma_start3A_8 = tpu.memref_slice %arg2[%dma_start3A_6, %dma_start3A_7] : memref<10240x64xf32, #tpu.memory_space<hbm>> -> memref<10240x64xf32, #tpu.memory_space<hbm>>
    tpu.enqueue_indirect_dma source(%dma_start3A_8 : memref<10240x64xf32, #tpu.memory_space<hbm>>) target(%arg9 : memref<128x64xf32, #tpu.memory_space<vmem>>) offsets(%dma_start3A_5 : memref<128xi32, #tpu.memory_space<vmem>>) semaphore(%arg14 : memref<!tpu.dma_semaphore, #tpu.memory_space<semaphore_mem>>)
    %scan3A = arith.constant 0 : i32
    %scan3A_9 = arith.constant 0 : i32
    %scan3A_10 = arith.constant 39 : i32
    %scan3A_11 = arith.addi %scan3A_9, %scan3A_10 : i32
    %scan3A_12 = arith.constant 1 : i32
    scf.for %scan3A_40 = %scan3A_9 to %scan3A_11 step %scan3A_12  : i32 {
      %mul3A_41 = arith.constant 2 : i32
      %mul3A_42 = arith.muli %mul3A_41, %scan3A_40 : i32
      %add3A_43 = arith.constant 1 : i32
      %add3A_44 = arith.addi %mul3A_42, %add3A_43 : i32
      %dma_start3A_45 = arith.constant 0 : i32
      %dma_start3A_46 = tpu.memref_slice %arg7[%add3A_44, %dma_start3A_45] : memref<80x128xi32, #tpu.memory_space<vmem>> -> memref<1x128xi32, #tpu.memory_space<vmem>>
      %dma_start3A_47 = tpu.memref_squeeze %dma_start3A_46 : memref<1x128xi32, #tpu.memory_space<vmem>> -> memref<128xi32, #tpu.memory_space<vmem>>
      %dma_start3A_48 = arith.constant 0 : i32
      %dma_start3A_49 = arith.constant 0 : i32
      %dma_start3A_50 = tpu.memref_slice %arg2[%dma_start3A_48, %dma_start3A_49] : memref<10240x64xf32, #tpu.memory_space<hbm>> -> memref<10240x64xf32, #tpu.memory_space<hbm>>
      tpu.enqueue_indirect_dma source(%dma_start3A_50 : memref<10240x64xf32, #tpu.memory_space<hbm>>) target(%arg10 : memref<128x64xf32, #tpu.memory_space<vmem>>) offsets(%dma_start3A_47 : memref<128xi32, #tpu.memory_space<vmem>>) semaphore(%arg15 : memref<!tpu.dma_semaphore, #tpu.memory_space<semaphore_mem>>)
      %dma_wait3A_51 = arith.constant 0 : i32
      %dma_wait3A_52 = arith.constant 0 : i32
      %dma_wait3A_53 = tpu.memref_slice %arg7[%dma_wait3A_51, %dma_wait3A_52] : memref<80x128xi32, #tpu.memory_space<vmem>> -> memref<1x128xi32, #tpu.memory_space<vmem>>
      %dma_wait3A_54 = tpu.memref_squeeze %dma_wait3A_53 : memref<1x128xi32, #tpu.memory_space<vmem>> -> memref<128xi32, #tpu.memory_space<vmem>>
      %dma_wait3A_55 = arith.constant 0 : i32
      %dma_wait3A_56 = arith.constant 0 : i32
      %dma_wait3A_57 = tpu.memref_slice %arg2[%dma_wait3A_55, %dma_wait3A_56] : memref<10240x64xf32, #tpu.memory_space<hbm>> -> memref<10240x64xf32, #tpu.memory_space<hbm>>
      tpu.wait_indirect_dma semaphore(%arg14 : memref<!tpu.dma_semaphore, #tpu.memory_space<semaphore_mem>>) src(%dma_wait3A_57 : memref<10240x64xf32, #tpu.memory_space<hbm>>) dst(%arg9 : memref<128x64xf32, #tpu.memory_space<vmem>>)
      "tpu.region"() ({
        %run_scoped3A_75 = tpu.sem_alloc : memref<!tpu.dma_semaphore, #tpu.memory_space<semaphore_mem>>
        %dma_start3A_76 = arith.constant 0 : i32
        %dma_start3A_77 = tpu.memref_slice %arg8[%mul3A_42, %dma_start3A_76] : memref<80x128xi32, #tpu.memory_space<vmem>> -> memref<1x128xi32, #tpu.memory_space<vmem>>
        %dma_start3A_78 = tpu.memref_squeeze %dma_start3A_77 : memref<1x128xi32, #tpu.memory_space<vmem>> -> memref<128xi32, #tpu.memory_space<vmem>>
        %dma_start3A_79 = arith.constant 0 : i32
        %dma_start3A_80 = arith.constant 0 : i32
        %dma_start3A_81 = tpu.memref_slice %arg13[%dma_start3A_79, %dma_start3A_80] : memref<10240x64xf32, #tpu.memory_space<vmem_shared>> -> memref<10240x64xf32, #tpu.memory_space<vmem_shared>>
        tpu.enqueue_indirect_dma source(%arg9 : memref<128x64xf32, #tpu.memory_space<vmem>>) target(%dma_start3A_81 : memref<10240x64xf32, #tpu.memory_space<vmem_shared>>) offsets(%dma_start3A_78 : memref<128xi32, #tpu.memory_space<vmem>>) semaphore(%run_scoped3A_75 : memref<!tpu.dma_semaphore, #tpu.memory_space<semaphore_mem>>) {add = true}
        %dma_wait3A_82 = arith.constant 0 : i32
        %dma_wait3A_83 = tpu.memref_slice %arg8[%mul3A_42, %dma_wait3A_82] : memref<80x128xi32, #tpu.memory_space<vmem>> -> memref<1x128xi32, #tpu.memory_space<vmem>>
        %dma_wait3A_84 = tpu.memref_squeeze %dma_wait3A_83 : memref<1x128xi32, #tpu.memory_space<vmem>> -> memref<128xi32, #tpu.memory_space<vmem>>
        %dma_wait3A_85 = arith.constant 0 : i32
        %dma_wait3A_86 = arith.constant 0 : i32
        %dma_wait3A_87 = tpu.memref_slice %arg13[%dma_wait3A_85, %dma_wait3A_86] : memref<10240x64xf32, #tpu.memory_space<vmem_shared>> -> memref<10240x64xf32, #tpu.memory_space<vmem_shared>>
        tpu.wait_indirect_dma semaphore(%run_scoped3A_75 : memref<!tpu.dma_semaphore, #tpu.memory_space<semaphore_mem>>) src(%arg9 : memref<128x64xf32, #tpu.memory_space<vmem>>) dst(%dma_wait3A_87 : memref<10240x64xf32, #tpu.memory_space<vmem_shared>>)
        tpu.yield
      }) : () -> ()
      %add3A_58 = arith.constant 2 : i32
      %add3A_59 = arith.addi %mul3A_42, %add3A_58 : i32
      %dma_start3A_60 = arith.constant 0 : i32
      %dma_start3A_61 = tpu.memref_slice %arg7[%add3A_59, %dma_start3A_60] : memref<80x128xi32, #tpu.memory_space<vmem>> -> memref<1x128xi32, #tpu.memory_space<vmem>>
      %dma_start3A_62 = tpu.memref_squeeze %dma_start3A_61 : memref<1x128xi32, #tpu.memory_space<vmem>> -> memref<128xi32, #tpu.memory_space<vmem>>
      %dma_start3A_63 = arith.constant 0 : i32
      %dma_start3A_64 = arith.constant 0 : i32
      %dma_start3A_65 = tpu.memref_slice %arg2[%dma_start3A_63, %dma_start3A_64] : memref<10240x64xf32, #tpu.memory_space<hbm>> -> memref<10240x64xf32, #tpu.memory_space<hbm>>
      tpu.enqueue_indirect_dma source(%dma_start3A_65 : memref<10240x64xf32, #tpu.memory_space<hbm>>) target(%arg9 : memref<128x64xf32, #tpu.memory_space<vmem>>) offsets(%dma_start3A_62 : memref<128xi32, #tpu.memory_space<vmem>>) semaphore(%arg14 : memref<!tpu.dma_semaphore, #tpu.memory_space<semaphore_mem>>)
      %dma_wait3A_66 = arith.constant 0 : i32
      %dma_wait3A_67 = arith.constant 0 : i32
      %dma_wait3A_68 = tpu.memref_slice %arg7[%dma_wait3A_66, %dma_wait3A_67] : memref<80x128xi32, #tpu.memory_space<vmem>> -> memref<1x128xi32, #tpu.memory_space<vmem>>
      %dma_wait3A_69 = tpu.memref_squeeze %dma_wait3A_68 : memref<1x128xi32, #tpu.memory_space<vmem>> -> memref<128xi32, #tpu.memory_space<vmem>>
      %dma_wait3A_70 = arith.constant 0 : i32
      %dma_wait3A_71 = arith.constant 0 : i32
      %dma_wait3A_72 = tpu.memref_slice %arg2[%dma_wait3A_70, %dma_wait3A_71] : memref<10240x64xf32, #tpu.memory_space<hbm>> -> memref<10240x64xf32, #tpu.memory_space<hbm>>
      tpu.wait_indirect_dma semaphore(%arg15 : memref<!tpu.dma_semaphore, #tpu.memory_space<semaphore_mem>>) src(%dma_wait3A_72 : memref<10240x64xf32, #tpu.memory_space<hbm>>) dst(%arg10 : memref<128x64xf32, #tpu.memory_space<vmem>>)
      %add3A_73 = arith.constant 1 : i32
      %add3A_74 = arith.addi %mul3A_42, %add3A_73 : i32
      "tpu.region"() ({
        %run_scoped3A_75 = tpu.sem_alloc : memref<!tpu.dma_semaphore, #tpu.memory_space<semaphore_mem>>
        %dma_start3A_76 = arith.constant 0 : i32
        %dma_start3A_77 = tpu.memref_slice %arg8[%add3A_74, %dma_start3A_76] : memref<80x128xi32, #tpu.memory_space<vmem>> -> memref<1x128xi32, #tpu.memory_space<vmem>>
        %dma_start3A_78 = tpu.memref_squeeze %dma_start3A_77 : memref<1x128xi32, #tpu.memory_space<vmem>> -> memref<128xi32, #tpu.memory_space<vmem>>
        %dma_start3A_79 = arith.constant 0 : i32
        %dma_start3A_80 = arith.constant 0 : i32
        %dma_start3A_81 = tpu.memref_slice %arg13[%dma_start3A_79, %dma_start3A_80] : memref<10240x64xf32, #tpu.memory_space<vmem_shared>> -> memref<10240x64xf32, #tpu.memory_space<vmem_shared>>
        tpu.enqueue_indirect_dma source(%arg10 : memref<128x64xf32, #tpu.memory_space<vmem>>) target(%dma_start3A_81 : memref<10240x64xf32, #tpu.memory_space<vmem_shared>>) offsets(%dma_start3A_78 : memref<128xi32, #tpu.memory_space<vmem>>) semaphore(%run_scoped3A_75 : memref<!tpu.dma_semaphore, #tpu.memory_space<semaphore_mem>>) {add = true}
        %dma_wait3A_82 = arith.constant 0 : i32
        %dma_wait3A_83 = tpu.memref_slice %arg8[%add3A_74, %dma_wait3A_82] : memref<80x128xi32, #tpu.memory_space<vmem>> -> memref<1x128xi32, #tpu.memory_space<vmem>>
        %dma_wait3A_84 = tpu.memref_squeeze %dma_wait3A_83 : memref<1x128xi32, #tpu.memory_space<vmem>> -> memref<128xi32, #tpu.memory_space<vmem>>
        %dma_wait3A_85 = arith.constant 0 : i32
        %dma_wait3A_86 = arith.constant 0 : i32
        %dma_wait3A_87 = tpu.memref_slice %arg13[%dma_wait3A_85, %dma_wait3A_86] : memref<10240x64xf32, #tpu.memory_space<vmem_shared>> -> memref<10240x64xf32, #tpu.memory_space<vmem_shared>>
        tpu.wait_indirect_dma semaphore(%run_scoped3A_75 : memref<!tpu.dma_semaphore, #tpu.memory_space<semaphore_mem>>) src(%arg10 : memref<128x64xf32, #tpu.memory_space<vmem>>) dst(%dma_wait3A_87 : memref<10240x64xf32, #tpu.memory_space<vmem_shared>>)
        tpu.yield
      }) : () -> ()
    }
    %scan3A_13 = arith.constant 39 : i32
    %dma_start3A_14 = arith.constant 79 : i32
    %dma_start3A_15 = arith.constant 0 : i32
    %dma_start3A_16 = tpu.memref_slice %arg7[%dma_start3A_14, %dma_start3A_15] : memref<80x128xi32, #tpu.memory_space<vmem>> -> memref<1x128xi32, #tpu.memory_space<vmem>>
    %dma_start3A_17 = tpu.memref_squeeze %dma_start3A_16 : memref<1x128xi32, #tpu.memory_space<vmem>> -> memref<128xi32, #tpu.memory_space<vmem>>
    %dma_start3A_18 = arith.constant 0 : i32
    %dma_start3A_19 = arith.constant 0 : i32
    %dma_start3A_20 = tpu.memref_slice %arg2[%dma_start3A_18, %dma_start3A_19] : memref<10240x64xf32, #tpu.memory_space<hbm>> -> memref<10240x64xf32, #tpu.memory_space<hbm>>
    tpu.enqueue_indirect_dma source(%dma_start3A_20 : memref<10240x64xf32, #tpu.memory_space<hbm>>) target(%arg10 : memref<128x64xf32, #tpu.memory_space<vmem>>) offsets(%dma_start3A_17 : memref<128xi32, #tpu.memory_space<vmem>>) semaphore(%arg15 : memref<!tpu.dma_semaphore, #tpu.memory_space<semaphore_mem>>)
    %dma_wait3A = arith.constant 0 : i32
    %dma_wait3A_21 = arith.constant 0 : i32
    %dma_wait3A_22 = tpu.memref_slice %arg7[%dma_wait3A, %dma_wait3A_21] : memref<80x128xi32, #tpu.memory_space<vmem>> -> memref<1x128xi32, #tpu.memory_space<vmem>>
    %dma_wait3A_23 = tpu.memref_squeeze %dma_wait3A_22 : memref<1x128xi32, #tpu.memory_space<vmem>> -> memref<128xi32, #tpu.memory_space<vmem>>
    %dma_wait3A_24 = arith.constant 0 : i32
    %dma_wait3A_25 = arith.constant 0 : i32
    %dma_wait3A_26 = tpu.memref_slice %arg2[%dma_wait3A_24, %dma_wait3A_25] : memref<10240x64xf32, #tpu.memory_space<hbm>> -> memref<10240x64xf32, #tpu.memory_space<hbm>>
    tpu.wait_indirect_dma semaphore(%arg14 : memref<!tpu.dma_semaphore, #tpu.memory_space<semaphore_mem>>) src(%dma_wait3A_26 : memref<10240x64xf32, #tpu.memory_space<hbm>>) dst(%arg9 : memref<128x64xf32, #tpu.memory_space<vmem>>)
    %run_scoped3A = arith.constant 78 : i32
    "tpu.region"() ({
      %run_scoped3A_40 = tpu.sem_alloc : memref<!tpu.dma_semaphore, #tpu.memory_space<semaphore_mem>>
      %dma_start3A_41 = arith.constant 0 : i32
      %dma_start3A_42 = tpu.memref_slice %arg8[%run_scoped3A, %dma_start3A_41] : memref<80x128xi32, #tpu.memory_space<vmem>> -> memref<1x128xi32, #tpu.memory_space<vmem>>
      %dma_start3A_43 = tpu.memref_squeeze %dma_start3A_42 : memref<1x128xi32, #tpu.memory_space<vmem>> -> memref<128xi32, #tpu.memory_space<vmem>>
      %dma_start3A_44 = arith.constant 0 : i32
      %dma_start3A_45 = arith.constant 0 : i32
      %dma_start3A_46 = tpu.memref_slice %arg13[%dma_start3A_44, %dma_start3A_45] : memref<10240x64xf32, #tpu.memory_space<vmem_shared>> -> memref<10240x64xf32, #tpu.memory_space<vmem_shared>>
      tpu.enqueue_indirect_dma source(%arg9 : memref<128x64xf32, #tpu.memory_space<vmem>>) target(%dma_start3A_46 : memref<10240x64xf32, #tpu.memory_space<vmem_shared>>) offsets(%dma_start3A_43 : memref<128xi32, #tpu.memory_space<vmem>>) semaphore(%run_scoped3A_40 : memref<!tpu.dma_semaphore, #tpu.memory_space<semaphore_mem>>) {add = true}
      %dma_wait3A_47 = arith.constant 0 : i32
      %dma_wait3A_48 = tpu.memref_slice %arg8[%run_scoped3A, %dma_wait3A_47] : memref<80x128xi32, #tpu.memory_space<vmem>> -> memref<1x128xi32, #tpu.memory_space<vmem>>
      %dma_wait3A_49 = tpu.memref_squeeze %dma_wait3A_48 : memref<1x128xi32, #tpu.memory_space<vmem>> -> memref<128xi32, #tpu.memory_space<vmem>>
      %dma_wait3A_50 = arith.constant 0 : i32
      %dma_wait3A_51 = arith.constant 0 : i32
      %dma_wait3A_52 = tpu.memref_slice %arg13[%dma_wait3A_50, %dma_wait3A_51] : memref<10240x64xf32, #tpu.memory_space<vmem_shared>> -> memref<10240x64xf32, #tpu.memory_space<vmem_shared>>
      tpu.wait_indirect_dma semaphore(%run_scoped3A_40 : memref<!tpu.dma_semaphore, #tpu.memory_space<semaphore_mem>>) src(%arg9 : memref<128x64xf32, #tpu.memory_space<vmem>>) dst(%dma_wait3A_52 : memref<10240x64xf32, #tpu.memory_space<vmem_shared>>)
      tpu.yield
    }) : () -> ()
    %dma_wait3A_27 = arith.constant 0 : i32
    %dma_wait3A_28 = arith.constant 0 : i32
    %dma_wait3A_29 = tpu.memref_slice %arg7[%dma_wait3A_27, %dma_wait3A_28] : memref<80x128xi32, #tpu.memory_space<vmem>> -> memref<1x128xi32, #tpu.memory_space<vmem>>
    %dma_wait3A_30 = tpu.memref_squeeze %dma_wait3A_29 : memref<1x128xi32, #tpu.memory_space<vmem>> -> memref<128xi32, #tpu.memory_space<vmem>>
    %dma_wait3A_31 = arith.constant 0 : i32
    %dma_wait3A_32 = arith.constant 0 : i32
    %dma_wait3A_33 = tpu.memref_slice %arg2[%dma_wait3A_31, %dma_wait3A_32] : memref<10240x64xf32, #tpu.memory_space<hbm>> -> memref<10240x64xf32, #tpu.memory_space<hbm>>
    tpu.wait_indirect_dma semaphore(%arg15 : memref<!tpu.dma_semaphore, #tpu.memory_space<semaphore_mem>>) src(%dma_wait3A_33 : memref<10240x64xf32, #tpu.memory_space<hbm>>) dst(%arg10 : memref<128x64xf32, #tpu.memory_space<vmem>>)
    %run_scoped3A_34 = arith.constant 79 : i32
    "tpu.region"() ({
      %run_scoped3A_40 = tpu.sem_alloc : memref<!tpu.dma_semaphore, #tpu.memory_space<semaphore_mem>>
      %dma_start3A_41 = arith.constant 0 : i32
      %dma_start3A_42 = tpu.memref_slice %arg8[%run_scoped3A_34, %dma_start3A_41] : memref<80x128xi32, #tpu.memory_space<vmem>> -> memref<1x128xi32, #tpu.memory_space<vmem>>
      %dma_start3A_43 = tpu.memref_squeeze %dma_start3A_42 : memref<1x128xi32, #tpu.memory_space<vmem>> -> memref<128xi32, #tpu.memory_space<vmem>>
      %dma_start3A_44 = arith.constant 0 : i32
      %dma_start3A_45 = arith.constant 0 : i32
      %dma_start3A_46 = tpu.memref_slice %arg13[%dma_start3A_44, %dma_start3A_45] : memref<10240x64xf32, #tpu.memory_space<vmem_shared>> -> memref<10240x64xf32, #tpu.memory_space<vmem_shared>>
      tpu.enqueue_indirect_dma source(%arg10 : memref<128x64xf32, #tpu.memory_space<vmem>>) target(%dma_start3A_46 : memref<10240x64xf32, #tpu.memory_space<vmem_shared>>) offsets(%dma_start3A_43 : memref<128xi32, #tpu.memory_space<vmem>>) semaphore(%run_scoped3A_40 : memref<!tpu.dma_semaphore, #tpu.memory_space<semaphore_mem>>) {add = true}
      %dma_wait3A_47 = arith.constant 0 : i32
      %dma_wait3A_48 = tpu.memref_slice %arg8[%run_scoped3A_34, %dma_wait3A_47] : memref<80x128xi32, #tpu.memory_space<vmem>> -> memref<1x128xi32, #tpu.memory_space<vmem>>
      %dma_wait3A_49 = tpu.memref_squeeze %dma_wait3A_48 : memref<1x128xi32, #tpu.memory_space<vmem>> -> memref<128xi32, #tpu.memory_space<vmem>>
      %dma_wait3A_50 = arith.constant 0 : i32
      %dma_wait3A_51 = arith.constant 0 : i32
      %dma_wait3A_52 = tpu.memref_slice %arg13[%dma_wait3A_50, %dma_wait3A_51] : memref<10240x64xf32, #tpu.memory_space<vmem_shared>> -> memref<10240x64xf32, #tpu.memory_space<vmem_shared>>
      tpu.wait_indirect_dma semaphore(%run_scoped3A_40 : memref<!tpu.dma_semaphore, #tpu.memory_space<semaphore_mem>>) src(%arg10 : memref<128x64xf32, #tpu.memory_space<vmem>>) dst(%dma_wait3A_52 : memref<10240x64xf32, #tpu.memory_space<vmem_shared>>)
      tpu.yield
    }) : () -> ()
    %barrier3A_35 = arith.constant 0 : index
    tpu.barrier barrier_id(%barrier3A_35)
    %mul3A_36 = arith.constant 640 : i32
    %mul3A_37 = arith.muli %arg1, %mul3A_36 : i32
    %mul3A_38 = arith.constant 640 : i32
    %mul3A_39 = arith.muli %arg1, %mul3A_38 : i32
    "tpu.region"() ({
      %run_scoped3A_40 = tpu.sem_alloc : memref<!tpu.dma_semaphore, #tpu.memory_space<semaphore_mem>>
      %dma_start3A_41 = arith.constant 0 : i32
      %dma_start3A_42 = tpu.memref_slice %arg6[%arg0, %mul3A_39, %dma_start3A_41] : memref<2x10240x64xf32, #tpu.memory_space<hbm>> -> memref<1x640x64xf32, #tpu.memory_space<hbm>>
      %dma_start3A_43 = tpu.memref_squeeze %dma_start3A_42 : memref<1x640x64xf32, #tpu.memory_space<hbm>> -> memref<640x64xf32, #tpu.memory_space<hbm>>
      %dma_start3A_44 = arith.constant 0 : i32
      %dma_start3A_45 = tpu.memref_slice %arg13[%mul3A_37, %dma_start3A_44] : memref<10240x64xf32, #tpu.memory_space<vmem_shared>> -> memref<640x64xf32, #tpu.memory_space<vmem_shared>>
      tpu.enqueue_dma source(%dma_start3A_45 : memref<640x64xf32, #tpu.memory_space<vmem_shared>>) target(%dma_start3A_43 : memref<640x64xf32, #tpu.memory_space<hbm>>) target_semaphore(%run_scoped3A_40 : memref<!tpu.dma_semaphore, #tpu.memory_space<semaphore_mem>>)
      %dma_wait3A_46 = arith.constant 0 : i32
      %dma_wait3A_47 = tpu.memref_slice %arg6[%arg0, %mul3A_39, %dma_wait3A_46] : memref<2x10240x64xf32, #tpu.memory_space<hbm>> -> memref<1x640x64xf32, #tpu.memory_space<hbm>>
      %dma_wait3A_48 = tpu.memref_squeeze %dma_wait3A_47 : memref<1x640x64xf32, #tpu.memory_space<hbm>> -> memref<640x64xf32, #tpu.memory_space<hbm>>
      %dma_wait3A_49 = arith.constant 0 : i32
      %dma_wait3A_50 = tpu.memref_slice %arg13[%mul3A_37, %dma_wait3A_49] : memref<10240x64xf32, #tpu.memory_space<vmem_shared>> -> memref<640x64xf32, #tpu.memory_space<vmem_shared>>
      tpu.wait_dma2 semaphore(%run_scoped3A_40 : memref<!tpu.dma_semaphore, #tpu.memory_space<semaphore_mem>>) src(%dma_wait3A_50 : memref<640x64xf32, #tpu.memory_space<vmem_shared>>) dst(%dma_wait3A_48 : memref<640x64xf32, #tpu.memory_space<hbm>>)
      tpu.yield
    }) : () -> ()
    return
  }
}

#map = affine_map<(d0, d1) -> (0, 0)>
#map1 = affine_map<(d0, d1) -> (0, 0, 0)>
module attributes {stable_mosaic.version = 14 : i64} {
  func.func @mp_kernel(%arg0: i32, %arg1: i32, %arg2: memref<10240x32xf32, #tpu.memory_space<hbm>>, %arg3: memref<32x80x128xi32, #tpu.memory_space<hbm>>, %arg4: memref<32x80x128xi32, #tpu.memory_space<hbm>>, %arg5: memref<640x32xf32, #tpu.memory_space<hbm>>, %arg6: memref<2x10240x32xf32, #tpu.memory_space<hbm>>, %arg7: memref<80x128xi32, #tpu.memory_space<vmem>>, %arg8: memref<80x128xi32, #tpu.memory_space<vmem>>, %arg9: memref<128x32xf32, #tpu.memory_space<vmem>>, %arg10: memref<128x32xf32, #tpu.memory_space<vmem>>, %arg11: memref<128x32xf32, #tpu.memory_space<vmem>>, %arg12: memref<128x32xf32, #tpu.memory_space<vmem>>, %arg13: memref<10240x32xf32, #tpu.memory_space<vmem_shared>>, %arg14: memref<!tpu.dma_semaphore, #tpu.memory_space<semaphore_mem>>, %arg15: memref<!tpu.dma_semaphore, #tpu.memory_space<semaphore_mem>>, %arg16: memref<!tpu.dma_semaphore, #tpu.memory_space<semaphore_mem>>, %arg17: memref<!tpu.dma_semaphore, #tpu.memory_space<semaphore_mem>>, %arg18: memref<!tpu.dma_semaphore, #tpu.memory_space<semaphore_mem>>, %arg19: memref<!tpu.dma_semaphore, #tpu.memory_space<semaphore_mem>>, %arg20: memref<!tpu.dma_semaphore, #tpu.memory_space<semaphore_mem>>, %arg21: memref<!tpu.dma_semaphore, #tpu.memory_space<semaphore_mem>>) attributes {dimension_semantics = [#tpu.dimension_semantics<core_parallel>, #tpu.dimension_semantics<subcore_parallel>], iteration_bounds = array<i64: 2, 16>, scalar_prefetch = 0 : i64, scratch_operands = 15 : i64, tpu.core_type = #tpu.core_type<sc_vector_subcore>, window_params = [{transform_indices = #map}, {transform_indices = #map1}, {transform_indices = #map1}, {transform_indices = #map}, {transform_indices = #map1}]} {
    %mul3A = arith.constant 2 : i32
    %mul3A_0 = arith.muli %arg1, %mul3A : i32
    %add3A = arith.addi %mul3A_0, %arg0 : i32
    "tpu.region"() ({
      %run_scoped3A_40 = tpu.sem_alloc : memref<!tpu.dma_semaphore, #tpu.memory_space<semaphore_mem>>
      %dma_start3A_41 = arith.constant 0 : i32
      %dma_start3A_42 = arith.constant 0 : i32
      %dma_start3A_43 = tpu.memref_slice %arg3[%add3A, %dma_start3A_41, %dma_start3A_42] : memref<32x80x128xi32, #tpu.memory_space<hbm>> -> memref<1x80x128xi32, #tpu.memory_space<hbm>>
      %dma_start3A_44 = tpu.memref_squeeze %dma_start3A_43 : memref<1x80x128xi32, #tpu.memory_space<hbm>> -> memref<80x128xi32, #tpu.memory_space<hbm>>
      %dma_start3A_45 = arith.constant 0 : i32
      %dma_start3A_46 = arith.constant 0 : i32
      %dma_start3A_47 = tpu.memref_slice %arg3[%add3A, %dma_start3A_45, %dma_start3A_46] : memref<32x80x128xi32, #tpu.memory_space<hbm>> -> memref<1x80x128xi32, #tpu.memory_space<hbm>>
      %dma_start3A_48 = tpu.memref_squeeze %dma_start3A_47 : memref<1x80x128xi32, #tpu.memory_space<hbm>> -> memref<80x128xi32, #tpu.memory_space<hbm>>
      tpu.enqueue_dma source(%dma_start3A_48 : memref<80x128xi32, #tpu.memory_space<hbm>>) target(%arg7 : memref<80x128xi32, #tpu.memory_space<vmem>>) target_semaphore(%run_scoped3A_40 : memref<!tpu.dma_semaphore, #tpu.memory_space<semaphore_mem>>)
      %dma_wait3A_49 = arith.constant 0 : i32
      %dma_wait3A_50 = arith.constant 0 : i32
      %dma_wait3A_51 = tpu.memref_slice %arg3[%add3A, %dma_wait3A_49, %dma_wait3A_50] : memref<32x80x128xi32, #tpu.memory_space<hbm>> -> memref<1x80x128xi32, #tpu.memory_space<hbm>>
      %dma_wait3A_52 = tpu.memref_squeeze %dma_wait3A_51 : memref<1x80x128xi32, #tpu.memory_space<hbm>> -> memref<80x128xi32, #tpu.memory_space<hbm>>
      %dma_wait3A_53 = arith.constant 0 : i32
      %dma_wait3A_54 = arith.constant 0 : i32
      %dma_wait3A_55 = tpu.memref_slice %arg3[%add3A, %dma_wait3A_53, %dma_wait3A_54] : memref<32x80x128xi32, #tpu.memory_space<hbm>> -> memref<1x80x128xi32, #tpu.memory_space<hbm>>
      %dma_wait3A_56 = tpu.memref_squeeze %dma_wait3A_55 : memref<1x80x128xi32, #tpu.memory_space<hbm>> -> memref<80x128xi32, #tpu.memory_space<hbm>>
      tpu.wait_dma2 semaphore(%run_scoped3A_40 : memref<!tpu.dma_semaphore, #tpu.memory_space<semaphore_mem>>) src(%dma_wait3A_56 : memref<80x128xi32, #tpu.memory_space<hbm>>) dst(%arg7 : memref<80x128xi32, #tpu.memory_space<vmem>>)
      tpu.yield
    }) : () -> ()
    "tpu.region"() ({
      %run_scoped3A_40 = tpu.sem_alloc : memref<!tpu.dma_semaphore, #tpu.memory_space<semaphore_mem>>
      %dma_start3A_41 = arith.constant 0 : i32
      %dma_start3A_42 = arith.constant 0 : i32
      %dma_start3A_43 = tpu.memref_slice %arg4[%add3A, %dma_start3A_41, %dma_start3A_42] : memref<32x80x128xi32, #tpu.memory_space<hbm>> -> memref<1x80x128xi32, #tpu.memory_space<hbm>>
      %dma_start3A_44 = tpu.memref_squeeze %dma_start3A_43 : memref<1x80x128xi32, #tpu.memory_space<hbm>> -> memref<80x128xi32, #tpu.memory_space<hbm>>
      %dma_start3A_45 = arith.constant 0 : i32
      %dma_start3A_46 = arith.constant 0 : i32
      %dma_start3A_47 = tpu.memref_slice %arg4[%add3A, %dma_start3A_45, %dma_start3A_46] : memref<32x80x128xi32, #tpu.memory_space<hbm>> -> memref<1x80x128xi32, #tpu.memory_space<hbm>>
      %dma_start3A_48 = tpu.memref_squeeze %dma_start3A_47 : memref<1x80x128xi32, #tpu.memory_space<hbm>> -> memref<80x128xi32, #tpu.memory_space<hbm>>
      tpu.enqueue_dma source(%dma_start3A_48 : memref<80x128xi32, #tpu.memory_space<hbm>>) target(%arg8 : memref<80x128xi32, #tpu.memory_space<vmem>>) target_semaphore(%run_scoped3A_40 : memref<!tpu.dma_semaphore, #tpu.memory_space<semaphore_mem>>)
      %dma_wait3A_49 = arith.constant 0 : i32
      %dma_wait3A_50 = arith.constant 0 : i32
      %dma_wait3A_51 = tpu.memref_slice %arg4[%add3A, %dma_wait3A_49, %dma_wait3A_50] : memref<32x80x128xi32, #tpu.memory_space<hbm>> -> memref<1x80x128xi32, #tpu.memory_space<hbm>>
      %dma_wait3A_52 = tpu.memref_squeeze %dma_wait3A_51 : memref<1x80x128xi32, #tpu.memory_space<hbm>> -> memref<80x128xi32, #tpu.memory_space<hbm>>
      %dma_wait3A_53 = arith.constant 0 : i32
      %dma_wait3A_54 = arith.constant 0 : i32
      %dma_wait3A_55 = tpu.memref_slice %arg4[%add3A, %dma_wait3A_53, %dma_wait3A_54] : memref<32x80x128xi32, #tpu.memory_space<hbm>> -> memref<1x80x128xi32, #tpu.memory_space<hbm>>
      %dma_wait3A_56 = tpu.memref_squeeze %dma_wait3A_55 : memref<1x80x128xi32, #tpu.memory_space<hbm>> -> memref<80x128xi32, #tpu.memory_space<hbm>>
      tpu.wait_dma2 semaphore(%run_scoped3A_40 : memref<!tpu.dma_semaphore, #tpu.memory_space<semaphore_mem>>) src(%dma_wait3A_56 : memref<80x128xi32, #tpu.memory_space<hbm>>) dst(%arg8 : memref<80x128xi32, #tpu.memory_space<vmem>>)
      tpu.yield
    }) : () -> ()
    %mul3A_1 = arith.constant 640 : i32
    %mul3A_2 = arith.muli %arg1, %mul3A_1 : i32
    "tpu.region"() ({
      %run_scoped3A_40 = tpu.sem_alloc : memref<!tpu.dma_semaphore, #tpu.memory_space<semaphore_mem>>
      %dma_start3A_41 = arith.constant 0 : i32
      %dma_start3A_42 = tpu.memref_slice %arg13[%mul3A_2, %dma_start3A_41] : memref<10240x32xf32, #tpu.memory_space<vmem_shared>> -> memref<640x32xf32, #tpu.memory_space<vmem_shared>>
      tpu.enqueue_dma source(%arg5 : memref<640x32xf32, #tpu.memory_space<hbm>>) target(%dma_start3A_42 : memref<640x32xf32, #tpu.memory_space<vmem_shared>>) target_semaphore(%run_scoped3A_40 : memref<!tpu.dma_semaphore, #tpu.memory_space<semaphore_mem>>)
      %dma_wait3A_43 = arith.constant 0 : i32
      %dma_wait3A_44 = tpu.memref_slice %arg13[%mul3A_2, %dma_wait3A_43] : memref<10240x32xf32, #tpu.memory_space<vmem_shared>> -> memref<640x32xf32, #tpu.memory_space<vmem_shared>>
      tpu.wait_dma2 semaphore(%run_scoped3A_40 : memref<!tpu.dma_semaphore, #tpu.memory_space<semaphore_mem>>) src(%arg5 : memref<640x32xf32, #tpu.memory_space<hbm>>) dst(%dma_wait3A_44 : memref<640x32xf32, #tpu.memory_space<vmem_shared>>)
      tpu.yield
    }) : () -> ()
    %barrier3A = arith.constant 0 : index
    tpu.barrier barrier_id(%barrier3A)
    %dma_start3A = arith.constant 0 : i32
    %dma_start3A_3 = arith.constant 0 : i32
    %dma_start3A_4 = tpu.memref_slice %arg7[%dma_start3A, %dma_start3A_3] : memref<80x128xi32, #tpu.memory_space<vmem>> -> memref<1x128xi32, #tpu.memory_space<vmem>>
    %dma_start3A_5 = tpu.memref_squeeze %dma_start3A_4 : memref<1x128xi32, #tpu.memory_space<vmem>> -> memref<128xi32, #tpu.memory_space<vmem>>
    %dma_start3A_6 = arith.constant 0 : i32
    %dma_start3A_7 = arith.constant 0 : i32
    %dma_start3A_8 = tpu.memref_slice %arg2[%dma_start3A_6, %dma_start3A_7] : memref<10240x32xf32, #tpu.memory_space<hbm>> -> memref<10240x32xf32, #tpu.memory_space<hbm>>
    tpu.enqueue_indirect_dma source(%dma_start3A_8 : memref<10240x32xf32, #tpu.memory_space<hbm>>) target(%arg9 : memref<128x32xf32, #tpu.memory_space<vmem>>) offsets(%dma_start3A_5 : memref<128xi32, #tpu.memory_space<vmem>>) semaphore(%arg14 : memref<!tpu.dma_semaphore, #tpu.memory_space<semaphore_mem>>)
    %scan3A = arith.constant 0 : i32
    %scan3A_9 = arith.constant 0 : i32
    %scan3A_10 = arith.constant 39 : i32
    %scan3A_11 = arith.addi %scan3A_9, %scan3A_10 : i32
    %scan3A_12 = arith.constant 1 : i32
    scf.for %scan3A_40 = %scan3A_9 to %scan3A_11 step %scan3A_12  : i32 {
      %mul3A_41 = arith.constant 2 : i32
      %mul3A_42 = arith.muli %mul3A_41, %scan3A_40 : i32
      %add3A_43 = arith.constant 1 : i32
      %add3A_44 = arith.addi %mul3A_42, %add3A_43 : i32
      %dma_start3A_45 = arith.constant 0 : i32
      %dma_start3A_46 = tpu.memref_slice %arg7[%add3A_44, %dma_start3A_45] : memref<80x128xi32, #tpu.memory_space<vmem>> -> memref<1x128xi32, #tpu.memory_space<vmem>>
      %dma_start3A_47 = tpu.memref_squeeze %dma_start3A_46 : memref<1x128xi32, #tpu.memory_space<vmem>> -> memref<128xi32, #tpu.memory_space<vmem>>
      %dma_start3A_48 = arith.constant 0 : i32
      %dma_start3A_49 = arith.constant 0 : i32
      %dma_start3A_50 = tpu.memref_slice %arg2[%dma_start3A_48, %dma_start3A_49] : memref<10240x32xf32, #tpu.memory_space<hbm>> -> memref<10240x32xf32, #tpu.memory_space<hbm>>
      tpu.enqueue_indirect_dma source(%dma_start3A_50 : memref<10240x32xf32, #tpu.memory_space<hbm>>) target(%arg10 : memref<128x32xf32, #tpu.memory_space<vmem>>) offsets(%dma_start3A_47 : memref<128xi32, #tpu.memory_space<vmem>>) semaphore(%arg15 : memref<!tpu.dma_semaphore, #tpu.memory_space<semaphore_mem>>)
      %dma_wait3A_51 = arith.constant 0 : i32
      %dma_wait3A_52 = arith.constant 0 : i32
      %dma_wait3A_53 = tpu.memref_slice %arg7[%dma_wait3A_51, %dma_wait3A_52] : memref<80x128xi32, #tpu.memory_space<vmem>> -> memref<1x128xi32, #tpu.memory_space<vmem>>
      %dma_wait3A_54 = tpu.memref_squeeze %dma_wait3A_53 : memref<1x128xi32, #tpu.memory_space<vmem>> -> memref<128xi32, #tpu.memory_space<vmem>>
      %dma_wait3A_55 = arith.constant 0 : i32
      %dma_wait3A_56 = arith.constant 0 : i32
      %dma_wait3A_57 = tpu.memref_slice %arg2[%dma_wait3A_55, %dma_wait3A_56] : memref<10240x32xf32, #tpu.memory_space<hbm>> -> memref<10240x32xf32, #tpu.memory_space<hbm>>
      tpu.wait_indirect_dma semaphore(%arg14 : memref<!tpu.dma_semaphore, #tpu.memory_space<semaphore_mem>>) src(%dma_wait3A_57 : memref<10240x32xf32, #tpu.memory_space<hbm>>) dst(%arg9 : memref<128x32xf32, #tpu.memory_space<vmem>>)
      "tpu.region"() ({
        %run_scoped3A_75 = tpu.sem_alloc : memref<!tpu.dma_semaphore, #tpu.memory_space<semaphore_mem>>
        %dma_start3A_76 = arith.constant 0 : i32
        %dma_start3A_77 = tpu.memref_slice %arg8[%mul3A_42, %dma_start3A_76] : memref<80x128xi32, #tpu.memory_space<vmem>> -> memref<1x128xi32, #tpu.memory_space<vmem>>
        %dma_start3A_78 = tpu.memref_squeeze %dma_start3A_77 : memref<1x128xi32, #tpu.memory_space<vmem>> -> memref<128xi32, #tpu.memory_space<vmem>>
        %dma_start3A_79 = arith.constant 0 : i32
        %dma_start3A_80 = arith.constant 0 : i32
        %dma_start3A_81 = tpu.memref_slice %arg13[%dma_start3A_79, %dma_start3A_80] : memref<10240x32xf32, #tpu.memory_space<vmem_shared>> -> memref<10240x32xf32, #tpu.memory_space<vmem_shared>>
        tpu.enqueue_indirect_dma source(%arg9 : memref<128x32xf32, #tpu.memory_space<vmem>>) target(%dma_start3A_81 : memref<10240x32xf32, #tpu.memory_space<vmem_shared>>) offsets(%dma_start3A_78 : memref<128xi32, #tpu.memory_space<vmem>>) semaphore(%run_scoped3A_75 : memref<!tpu.dma_semaphore, #tpu.memory_space<semaphore_mem>>) {add = true}
        %dma_wait3A_82 = arith.constant 0 : i32
        %dma_wait3A_83 = tpu.memref_slice %arg8[%mul3A_42, %dma_wait3A_82] : memref<80x128xi32, #tpu.memory_space<vmem>> -> memref<1x128xi32, #tpu.memory_space<vmem>>
        %dma_wait3A_84 = tpu.memref_squeeze %dma_wait3A_83 : memref<1x128xi32, #tpu.memory_space<vmem>> -> memref<128xi32, #tpu.memory_space<vmem>>
        %dma_wait3A_85 = arith.constant 0 : i32
        %dma_wait3A_86 = arith.constant 0 : i32
        %dma_wait3A_87 = tpu.memref_slice %arg13[%dma_wait3A_85, %dma_wait3A_86] : memref<10240x32xf32, #tpu.memory_space<vmem_shared>> -> memref<10240x32xf32, #tpu.memory_space<vmem_shared>>
        tpu.wait_indirect_dma semaphore(%run_scoped3A_75 : memref<!tpu.dma_semaphore, #tpu.memory_space<semaphore_mem>>) src(%arg9 : memref<128x32xf32, #tpu.memory_space<vmem>>) dst(%dma_wait3A_87 : memref<10240x32xf32, #tpu.memory_space<vmem_shared>>)
        tpu.yield
      }) : () -> ()
      %add3A_58 = arith.constant 2 : i32
      %add3A_59 = arith.addi %mul3A_42, %add3A_58 : i32
      %dma_start3A_60 = arith.constant 0 : i32
      %dma_start3A_61 = tpu.memref_slice %arg7[%add3A_59, %dma_start3A_60] : memref<80x128xi32, #tpu.memory_space<vmem>> -> memref<1x128xi32, #tpu.memory_space<vmem>>
      %dma_start3A_62 = tpu.memref_squeeze %dma_start3A_61 : memref<1x128xi32, #tpu.memory_space<vmem>> -> memref<128xi32, #tpu.memory_space<vmem>>
      %dma_start3A_63 = arith.constant 0 : i32
      %dma_start3A_64 = arith.constant 0 : i32
      %dma_start3A_65 = tpu.memref_slice %arg2[%dma_start3A_63, %dma_start3A_64] : memref<10240x32xf32, #tpu.memory_space<hbm>> -> memref<10240x32xf32, #tpu.memory_space<hbm>>
      tpu.enqueue_indirect_dma source(%dma_start3A_65 : memref<10240x32xf32, #tpu.memory_space<hbm>>) target(%arg9 : memref<128x32xf32, #tpu.memory_space<vmem>>) offsets(%dma_start3A_62 : memref<128xi32, #tpu.memory_space<vmem>>) semaphore(%arg14 : memref<!tpu.dma_semaphore, #tpu.memory_space<semaphore_mem>>)
      %dma_wait3A_66 = arith.constant 0 : i32
      %dma_wait3A_67 = arith.constant 0 : i32
      %dma_wait3A_68 = tpu.memref_slice %arg7[%dma_wait3A_66, %dma_wait3A_67] : memref<80x128xi32, #tpu.memory_space<vmem>> -> memref<1x128xi32, #tpu.memory_space<vmem>>
      %dma_wait3A_69 = tpu.memref_squeeze %dma_wait3A_68 : memref<1x128xi32, #tpu.memory_space<vmem>> -> memref<128xi32, #tpu.memory_space<vmem>>
      %dma_wait3A_70 = arith.constant 0 : i32
      %dma_wait3A_71 = arith.constant 0 : i32
      %dma_wait3A_72 = tpu.memref_slice %arg2[%dma_wait3A_70, %dma_wait3A_71] : memref<10240x32xf32, #tpu.memory_space<hbm>> -> memref<10240x32xf32, #tpu.memory_space<hbm>>
      tpu.wait_indirect_dma semaphore(%arg15 : memref<!tpu.dma_semaphore, #tpu.memory_space<semaphore_mem>>) src(%dma_wait3A_72 : memref<10240x32xf32, #tpu.memory_space<hbm>>) dst(%arg10 : memref<128x32xf32, #tpu.memory_space<vmem>>)
      %add3A_73 = arith.constant 1 : i32
      %add3A_74 = arith.addi %mul3A_42, %add3A_73 : i32
      "tpu.region"() ({
        %run_scoped3A_75 = tpu.sem_alloc : memref<!tpu.dma_semaphore, #tpu.memory_space<semaphore_mem>>
        %dma_start3A_76 = arith.constant 0 : i32
        %dma_start3A_77 = tpu.memref_slice %arg8[%add3A_74, %dma_start3A_76] : memref<80x128xi32, #tpu.memory_space<vmem>> -> memref<1x128xi32, #tpu.memory_space<vmem>>
        %dma_start3A_78 = tpu.memref_squeeze %dma_start3A_77 : memref<1x128xi32, #tpu.memory_space<vmem>> -> memref<128xi32, #tpu.memory_space<vmem>>
        %dma_start3A_79 = arith.constant 0 : i32
        %dma_start3A_80 = arith.constant 0 : i32
        %dma_start3A_81 = tpu.memref_slice %arg13[%dma_start3A_79, %dma_start3A_80] : memref<10240x32xf32, #tpu.memory_space<vmem_shared>> -> memref<10240x32xf32, #tpu.memory_space<vmem_shared>>
        tpu.enqueue_indirect_dma source(%arg10 : memref<128x32xf32, #tpu.memory_space<vmem>>) target(%dma_start3A_81 : memref<10240x32xf32, #tpu.memory_space<vmem_shared>>) offsets(%dma_start3A_78 : memref<128xi32, #tpu.memory_space<vmem>>) semaphore(%run_scoped3A_75 : memref<!tpu.dma_semaphore, #tpu.memory_space<semaphore_mem>>) {add = true}
        %dma_wait3A_82 = arith.constant 0 : i32
        %dma_wait3A_83 = tpu.memref_slice %arg8[%add3A_74, %dma_wait3A_82] : memref<80x128xi32, #tpu.memory_space<vmem>> -> memref<1x128xi32, #tpu.memory_space<vmem>>
        %dma_wait3A_84 = tpu.memref_squeeze %dma_wait3A_83 : memref<1x128xi32, #tpu.memory_space<vmem>> -> memref<128xi32, #tpu.memory_space<vmem>>
        %dma_wait3A_85 = arith.constant 0 : i32
        %dma_wait3A_86 = arith.constant 0 : i32
        %dma_wait3A_87 = tpu.memref_slice %arg13[%dma_wait3A_85, %dma_wait3A_86] : memref<10240x32xf32, #tpu.memory_space<vmem_shared>> -> memref<10240x32xf32, #tpu.memory_space<vmem_shared>>
        tpu.wait_indirect_dma semaphore(%run_scoped3A_75 : memref<!tpu.dma_semaphore, #tpu.memory_space<semaphore_mem>>) src(%arg10 : memref<128x32xf32, #tpu.memory_space<vmem>>) dst(%dma_wait3A_87 : memref<10240x32xf32, #tpu.memory_space<vmem_shared>>)
        tpu.yield
      }) : () -> ()
    }
    %scan3A_13 = arith.constant 39 : i32
    %dma_start3A_14 = arith.constant 79 : i32
    %dma_start3A_15 = arith.constant 0 : i32
    %dma_start3A_16 = tpu.memref_slice %arg7[%dma_start3A_14, %dma_start3A_15] : memref<80x128xi32, #tpu.memory_space<vmem>> -> memref<1x128xi32, #tpu.memory_space<vmem>>
    %dma_start3A_17 = tpu.memref_squeeze %dma_start3A_16 : memref<1x128xi32, #tpu.memory_space<vmem>> -> memref<128xi32, #tpu.memory_space<vmem>>
    %dma_start3A_18 = arith.constant 0 : i32
    %dma_start3A_19 = arith.constant 0 : i32
    %dma_start3A_20 = tpu.memref_slice %arg2[%dma_start3A_18, %dma_start3A_19] : memref<10240x32xf32, #tpu.memory_space<hbm>> -> memref<10240x32xf32, #tpu.memory_space<hbm>>
    tpu.enqueue_indirect_dma source(%dma_start3A_20 : memref<10240x32xf32, #tpu.memory_space<hbm>>) target(%arg10 : memref<128x32xf32, #tpu.memory_space<vmem>>) offsets(%dma_start3A_17 : memref<128xi32, #tpu.memory_space<vmem>>) semaphore(%arg15 : memref<!tpu.dma_semaphore, #tpu.memory_space<semaphore_mem>>)
    %dma_wait3A = arith.constant 0 : i32
    %dma_wait3A_21 = arith.constant 0 : i32
    %dma_wait3A_22 = tpu.memref_slice %arg7[%dma_wait3A, %dma_wait3A_21] : memref<80x128xi32, #tpu.memory_space<vmem>> -> memref<1x128xi32, #tpu.memory_space<vmem>>
    %dma_wait3A_23 = tpu.memref_squeeze %dma_wait3A_22 : memref<1x128xi32, #tpu.memory_space<vmem>> -> memref<128xi32, #tpu.memory_space<vmem>>
    %dma_wait3A_24 = arith.constant 0 : i32
    %dma_wait3A_25 = arith.constant 0 : i32
    %dma_wait3A_26 = tpu.memref_slice %arg2[%dma_wait3A_24, %dma_wait3A_25] : memref<10240x32xf32, #tpu.memory_space<hbm>> -> memref<10240x32xf32, #tpu.memory_space<hbm>>
    tpu.wait_indirect_dma semaphore(%arg14 : memref<!tpu.dma_semaphore, #tpu.memory_space<semaphore_mem>>) src(%dma_wait3A_26 : memref<10240x32xf32, #tpu.memory_space<hbm>>) dst(%arg9 : memref<128x32xf32, #tpu.memory_space<vmem>>)
    %run_scoped3A = arith.constant 78 : i32
    "tpu.region"() ({
      %run_scoped3A_40 = tpu.sem_alloc : memref<!tpu.dma_semaphore, #tpu.memory_space<semaphore_mem>>
      %dma_start3A_41 = arith.constant 0 : i32
      %dma_start3A_42 = tpu.memref_slice %arg8[%run_scoped3A, %dma_start3A_41] : memref<80x128xi32, #tpu.memory_space<vmem>> -> memref<1x128xi32, #tpu.memory_space<vmem>>
      %dma_start3A_43 = tpu.memref_squeeze %dma_start3A_42 : memref<1x128xi32, #tpu.memory_space<vmem>> -> memref<128xi32, #tpu.memory_space<vmem>>
      %dma_start3A_44 = arith.constant 0 : i32
      %dma_start3A_45 = arith.constant 0 : i32
      %dma_start3A_46 = tpu.memref_slice %arg13[%dma_start3A_44, %dma_start3A_45] : memref<10240x32xf32, #tpu.memory_space<vmem_shared>> -> memref<10240x32xf32, #tpu.memory_space<vmem_shared>>
      tpu.enqueue_indirect_dma source(%arg9 : memref<128x32xf32, #tpu.memory_space<vmem>>) target(%dma_start3A_46 : memref<10240x32xf32, #tpu.memory_space<vmem_shared>>) offsets(%dma_start3A_43 : memref<128xi32, #tpu.memory_space<vmem>>) semaphore(%run_scoped3A_40 : memref<!tpu.dma_semaphore, #tpu.memory_space<semaphore_mem>>) {add = true}
      %dma_wait3A_47 = arith.constant 0 : i32
      %dma_wait3A_48 = tpu.memref_slice %arg8[%run_scoped3A, %dma_wait3A_47] : memref<80x128xi32, #tpu.memory_space<vmem>> -> memref<1x128xi32, #tpu.memory_space<vmem>>
      %dma_wait3A_49 = tpu.memref_squeeze %dma_wait3A_48 : memref<1x128xi32, #tpu.memory_space<vmem>> -> memref<128xi32, #tpu.memory_space<vmem>>
      %dma_wait3A_50 = arith.constant 0 : i32
      %dma_wait3A_51 = arith.constant 0 : i32
      %dma_wait3A_52 = tpu.memref_slice %arg13[%dma_wait3A_50, %dma_wait3A_51] : memref<10240x32xf32, #tpu.memory_space<vmem_shared>> -> memref<10240x32xf32, #tpu.memory_space<vmem_shared>>
      tpu.wait_indirect_dma semaphore(%run_scoped3A_40 : memref<!tpu.dma_semaphore, #tpu.memory_space<semaphore_mem>>) src(%arg9 : memref<128x32xf32, #tpu.memory_space<vmem>>) dst(%dma_wait3A_52 : memref<10240x32xf32, #tpu.memory_space<vmem_shared>>)
      tpu.yield
    }) : () -> ()
    %dma_wait3A_27 = arith.constant 0 : i32
    %dma_wait3A_28 = arith.constant 0 : i32
    %dma_wait3A_29 = tpu.memref_slice %arg7[%dma_wait3A_27, %dma_wait3A_28] : memref<80x128xi32, #tpu.memory_space<vmem>> -> memref<1x128xi32, #tpu.memory_space<vmem>>
    %dma_wait3A_30 = tpu.memref_squeeze %dma_wait3A_29 : memref<1x128xi32, #tpu.memory_space<vmem>> -> memref<128xi32, #tpu.memory_space<vmem>>
    %dma_wait3A_31 = arith.constant 0 : i32
    %dma_wait3A_32 = arith.constant 0 : i32
    %dma_wait3A_33 = tpu.memref_slice %arg2[%dma_wait3A_31, %dma_wait3A_32] : memref<10240x32xf32, #tpu.memory_space<hbm>> -> memref<10240x32xf32, #tpu.memory_space<hbm>>
    tpu.wait_indirect_dma semaphore(%arg15 : memref<!tpu.dma_semaphore, #tpu.memory_space<semaphore_mem>>) src(%dma_wait3A_33 : memref<10240x32xf32, #tpu.memory_space<hbm>>) dst(%arg10 : memref<128x32xf32, #tpu.memory_space<vmem>>)
    %run_scoped3A_34 = arith.constant 79 : i32
    "tpu.region"() ({
      %run_scoped3A_40 = tpu.sem_alloc : memref<!tpu.dma_semaphore, #tpu.memory_space<semaphore_mem>>
      %dma_start3A_41 = arith.constant 0 : i32
      %dma_start3A_42 = tpu.memref_slice %arg8[%run_scoped3A_34, %dma_start3A_41] : memref<80x128xi32, #tpu.memory_space<vmem>> -> memref<1x128xi32, #tpu.memory_space<vmem>>
      %dma_start3A_43 = tpu.memref_squeeze %dma_start3A_42 : memref<1x128xi32, #tpu.memory_space<vmem>> -> memref<128xi32, #tpu.memory_space<vmem>>
      %dma_start3A_44 = arith.constant 0 : i32
      %dma_start3A_45 = arith.constant 0 : i32
      %dma_start3A_46 = tpu.memref_slice %arg13[%dma_start3A_44, %dma_start3A_45] : memref<10240x32xf32, #tpu.memory_space<vmem_shared>> -> memref<10240x32xf32, #tpu.memory_space<vmem_shared>>
      tpu.enqueue_indirect_dma source(%arg10 : memref<128x32xf32, #tpu.memory_space<vmem>>) target(%dma_start3A_46 : memref<10240x32xf32, #tpu.memory_space<vmem_shared>>) offsets(%dma_start3A_43 : memref<128xi32, #tpu.memory_space<vmem>>) semaphore(%run_scoped3A_40 : memref<!tpu.dma_semaphore, #tpu.memory_space<semaphore_mem>>) {add = true}
      %dma_wait3A_47 = arith.constant 0 : i32
      %dma_wait3A_48 = tpu.memref_slice %arg8[%run_scoped3A_34, %dma_wait3A_47] : memref<80x128xi32, #tpu.memory_space<vmem>> -> memref<1x128xi32, #tpu.memory_space<vmem>>
      %dma_wait3A_49 = tpu.memref_squeeze %dma_wait3A_48 : memref<1x128xi32, #tpu.memory_space<vmem>> -> memref<128xi32, #tpu.memory_space<vmem>>
      %dma_wait3A_50 = arith.constant 0 : i32
      %dma_wait3A_51 = arith.constant 0 : i32
      %dma_wait3A_52 = tpu.memref_slice %arg13[%dma_wait3A_50, %dma_wait3A_51] : memref<10240x32xf32, #tpu.memory_space<vmem_shared>> -> memref<10240x32xf32, #tpu.memory_space<vmem_shared>>
      tpu.wait_indirect_dma semaphore(%run_scoped3A_40 : memref<!tpu.dma_semaphore, #tpu.memory_space<semaphore_mem>>) src(%arg10 : memref<128x32xf32, #tpu.memory_space<vmem>>) dst(%dma_wait3A_52 : memref<10240x32xf32, #tpu.memory_space<vmem_shared>>)
      tpu.yield
    }) : () -> ()
    %barrier3A_35 = arith.constant 0 : index
    tpu.barrier barrier_id(%barrier3A_35)
    %mul3A_36 = arith.constant 640 : i32
    %mul3A_37 = arith.muli %arg1, %mul3A_36 : i32
    %mul3A_38 = arith.constant 640 : i32
    %mul3A_39 = arith.muli %arg1, %mul3A_38 : i32
    "tpu.region"() ({
      %run_scoped3A_40 = tpu.sem_alloc : memref<!tpu.dma_semaphore, #tpu.memory_space<semaphore_mem>>
      %dma_start3A_41 = arith.constant 0 : i32
      %dma_start3A_42 = tpu.memref_slice %arg6[%arg0, %mul3A_39, %dma_start3A_41] : memref<2x10240x32xf32, #tpu.memory_space<hbm>> -> memref<1x640x32xf32, #tpu.memory_space<hbm>>
      %dma_start3A_43 = tpu.memref_squeeze %dma_start3A_42 : memref<1x640x32xf32, #tpu.memory_space<hbm>> -> memref<640x32xf32, #tpu.memory_space<hbm>>
      %dma_start3A_44 = arith.constant 0 : i32
      %dma_start3A_45 = tpu.memref_slice %arg13[%mul3A_37, %dma_start3A_44] : memref<10240x32xf32, #tpu.memory_space<vmem_shared>> -> memref<640x32xf32, #tpu.memory_space<vmem_shared>>
      tpu.enqueue_dma source(%dma_start3A_45 : memref<640x32xf32, #tpu.memory_space<vmem_shared>>) target(%dma_start3A_43 : memref<640x32xf32, #tpu.memory_space<hbm>>) target_semaphore(%run_scoped3A_40 : memref<!tpu.dma_semaphore, #tpu.memory_space<semaphore_mem>>)
      %dma_wait3A_46 = arith.constant 0 : i32
      %dma_wait3A_47 = tpu.memref_slice %arg6[%arg0, %mul3A_39, %dma_wait3A_46] : memref<2x10240x32xf32, #tpu.memory_space<hbm>> -> memref<1x640x32xf32, #tpu.memory_space<hbm>>
      %dma_wait3A_48 = tpu.memref_squeeze %dma_wait3A_47 : memref<1x640x32xf32, #tpu.memory_space<hbm>> -> memref<640x32xf32, #tpu.memory_space<hbm>>
      %dma_wait3A_49 = arith.constant 0 : i32
      %dma_wait3A_50 = tpu.memref_slice %arg13[%mul3A_37, %dma_wait3A_49] : memref<10240x32xf32, #tpu.memory_space<vmem_shared>> -> memref<640x32xf32, #tpu.memory_space<vmem_shared>>
      tpu.wait_dma2 semaphore(%run_scoped3A_40 : memref<!tpu.dma_semaphore, #tpu.memory_space<semaphore_mem>>) src(%dma_wait3A_50 : memref<640x32xf32, #tpu.memory_space<vmem_shared>>) dst(%dma_wait3A_48 : memref<640x32xf32, #tpu.memory_space<hbm>>)
      tpu.yield
    }) : () -> ()
    return
  }
}

module attributes {stable_mosaic.version = 14 : i64} {
  func.func @_tc1_body(%arg0: i32, %arg1: memref<1000x128xf32, #tpu.memory_space<vmem>>, %arg2: memref<128x64xf32, #tpu.memory_space<vmem>>, %arg3: memref<2x1000x8xf32, #tpu.memory_space<vmem>>, %arg4: memref<1000x64xf32, #tpu.memory_space<vmem>>, %arg5: memref<1000x1xf32, #tpu.memory_space<vmem>>) attributes {dimension_semantics = [#tpu.dimension_semantics<arbitrary>], iteration_bounds = array<i64: 10>, scalar_prefetch = 0 : i64, scratch_operands = 0 : i64, tpu.core_type = #tpu.core_type<tc>, window_params = [{transform_indices = @transform_0, window_bounds = array<i64: 1000, 128>}, {pipeline_mode = #tpu.pipeline_mode<synchronous>, transform_indices = @transform_1, window_bounds = array<i64: 128, 64>}, {transform_indices = @transform_2, window_bounds = array<i64: 2, 1000, 8>}, {transform_indices = @transform_3, window_bounds = array<i64: 1000, 64>}, {transform_indices = @transform_4, window_bounds = array<i64: 1000, 1>}]} {
    %get3A = arith.constant 0 : index
    %get3A_0 = arith.constant 0 : index
    %get3A_1 = arith.constant 0 : index
    %get3A_2 = vector.load %arg3[%get3A, %get3A_0, %get3A_1] : memref<2x1000x8xf32, #tpu.memory_space<vmem>>, vector<1x1000x1xf32>
    %get3A_3 = vector.shape_cast %get3A_2 : vector<1x1000x1xf32> to vector<1000x1xf32>
    %get3A_4 = arith.constant 1 : index
    %get3A_5 = arith.constant 0 : index
    %get3A_6 = arith.constant 0 : index
    %get3A_7 = vector.load %arg3[%get3A_4, %get3A_5, %get3A_6] : memref<2x1000x8xf32, #tpu.memory_space<vmem>>, vector<1x1000x1xf32>
    %get3A_8 = vector.shape_cast %get3A_7 : vector<1x1000x1xf32> to vector<1000x1xf32>
    %add3A = arith.addf %get3A_3, %get3A_8 : vector<1000x1xf32>
    %add3A_9 = arith.constant 1.000000e+00 : f32
    %add3A_10 = vector.broadcast %add3A_9 : f32 to vector<1000x1xf32>
    %add3A_11 = arith.addf %add3A, %add3A_10 : vector<1000x1xf32>
    %rsqrt3A = math.rsqrt %add3A_11 : vector<1000x1xf32>
    %get3A_12 = arith.constant 0 : index
    %get3A_13 = arith.constant 0 : index
    %get3A_14 = vector.load %arg1[%get3A_12, %get3A_13] : memref<1000x128xf32, #tpu.memory_space<vmem>>, vector<1000x128xf32>
    %get3A_15 = arith.constant 0 : index
    %get3A_16 = arith.constant 0 : index
    %get3A_17 = vector.load %arg2[%get3A_15, %get3A_16] : memref<128x64xf32, #tpu.memory_space<vmem>>, vector<128x64xf32>
    %dot_general3A = arith.constant dense<0.000000e+00> : vector<1000x64xf32>
    %dot_general3A_18 = tpu.matmul %get3A_14, %get3A_17, %dot_general3A {dimension_numbers = #tpu.dot_dimension_numbers<[1], [0], [0], [1], [0, 0, 1, 1], [], []>, transpose_lhs_hint = false} : vector<1000x128xf32>, vector<128x64xf32>, vector<1000x64xf32> -> vector<1000x64xf32>
    %mul3A = vector.broadcast %rsqrt3A : vector<1000x1xf32> to vector<1000x64xf32>
    %mul3A_19 = arith.mulf %dot_general3A_18, %mul3A : vector<1000x64xf32>
    %swap3A = arith.constant 0 : index
    %swap3A_20 = arith.constant 0 : index
    %swap3A_21 = vector.load %arg4[%swap3A, %swap3A_20] : memref<1000x64xf32, #tpu.memory_space<vmem>>, vector<1000x64xf32>
    tpu.vector_store %arg4[%swap3A, %swap3A_20], %mul3A_19 {strides = array<i32>} : memref<1000x64xf32, #tpu.memory_space<vmem>>, vector<1000x64xf32>,
    %swap3A_22 = arith.constant 0 : index
    %swap3A_23 = arith.constant 0 : index
    %swap3A_24 = vector.load %arg5[%swap3A_22, %swap3A_23] : memref<1000x1xf32, #tpu.memory_space<vmem>>, vector<1000x1xf32>
    tpu.vector_store %arg5[%swap3A_22, %swap3A_23], %rsqrt3A {strides = array<i32>} : memref<1000x1xf32, #tpu.memory_space<vmem>>, vector<1000x1xf32>,
    return
  }
  func.func @transform_0(%arg0: i32) -> (i32, i32) {
    %c0_i32 = arith.constant 0 : i32
    %c0_i32_0 = arith.constant 0 : i32
    return %arg0, %c0_i32 : i32, i32
  }
  func.func @transform_1(%arg0: i32) -> (i32, i32) {
    %c0_i32 = arith.constant 0 : i32
    %c0_i32_0 = arith.constant 0 : i32
    %c0_i32_1 = arith.constant 0 : i32
    return %c0_i32, %c0_i32_0 : i32, i32
  }
  func.func @transform_2(%arg0: i32) -> (i32, i32, i32) {
    %c0_i32 = arith.constant 0 : i32
    %c0_i32_0 = arith.constant 0 : i32
    %c0_i32_1 = arith.constant 0 : i32
    return %c0_i32, %arg0, %c0_i32_0 : i32, i32, i32
  }
  func.func @transform_3(%arg0: i32) -> (i32, i32) {
    %c0_i32 = arith.constant 0 : i32
    %c0_i32_0 = arith.constant 0 : i32
    return %arg0, %c0_i32 : i32, i32
  }
  func.func @transform_4(%arg0: i32) -> (i32, i32) {
    %c0_i32 = arith.constant 0 : i32
    %c0_i32_0 = arith.constant 0 : i32
    return %arg0, %c0_i32 : i32, i32
  }
}

module attributes {stable_mosaic.version = 14 : i64} {
  func.func @_tc2_body(%arg0: i32, %arg1: memref<2x1000x64xf32, #tpu.memory_space<vmem>>, %arg2: memref<1000x64xf32, #tpu.memory_space<vmem>>, %arg3: memref<1000x1xf32, #tpu.memory_space<vmem>>, %arg4: memref<1x64xf32, #tpu.memory_space<vmem>>, %arg5: memref<64x32xf32, #tpu.memory_space<vmem>>, %arg6: memref<1000x32xf32, #tpu.memory_space<vmem>>) attributes {dimension_semantics = [#tpu.dimension_semantics<arbitrary>], iteration_bounds = array<i64: 10>, scalar_prefetch = 0 : i64, scratch_operands = 0 : i64, tpu.core_type = #tpu.core_type<tc>, window_params = [{transform_indices = @transform_0, window_bounds = array<i64: 2, 1000, 64>}, {transform_indices = @transform_1, window_bounds = array<i64: 1000, 64>}, {transform_indices = @transform_2, window_bounds = array<i64: 1000, 1>}, {pipeline_mode = #tpu.pipeline_mode<synchronous>, transform_indices = @transform_3, window_bounds = array<i64: 1, 64>}, {pipeline_mode = #tpu.pipeline_mode<synchronous>, transform_indices = @transform_4, window_bounds = array<i64: 64, 32>}, {transform_indices = @transform_5, window_bounds = array<i64: 1000, 32>}]} {
    %get3A = arith.constant 0 : index
    %get3A_0 = arith.constant 0 : index
    %get3A_1 = vector.load %arg3[%get3A, %get3A_0] : memref<1000x1xf32, #tpu.memory_space<vmem>>, vector<1000x1xf32>
    %get3A_2 = arith.constant 0 : index
    %get3A_3 = arith.constant 0 : index
    %get3A_4 = arith.constant 0 : index
    %get3A_5 = vector.load %arg1[%get3A_2, %get3A_3, %get3A_4] : memref<2x1000x64xf32, #tpu.memory_space<vmem>>, vector<1x1000x64xf32>
    %get3A_6 = vector.shape_cast %get3A_5 : vector<1x1000x64xf32> to vector<1000x64xf32>
    %get3A_7 = arith.constant 1 : index
    %get3A_8 = arith.constant 0 : index
    %get3A_9 = arith.constant 0 : index
    %get3A_10 = vector.load %arg1[%get3A_7, %get3A_8, %get3A_9] : memref<2x1000x64xf32, #tpu.memory_space<vmem>>, vector<1x1000x64xf32>
    %get3A_11 = vector.shape_cast %get3A_10 : vector<1x1000x64xf32> to vector<1000x64xf32>
    %add3A = arith.addf %get3A_6, %get3A_11 : vector<1000x64xf32>
    %get3A_12 = arith.constant 0 : index
    %get3A_13 = arith.constant 0 : index
    %get3A_14 = vector.load %arg2[%get3A_12, %get3A_13] : memref<1000x64xf32, #tpu.memory_space<vmem>>, vector<1000x64xf32>
    %add3A_15 = arith.addf %add3A, %get3A_14 : vector<1000x64xf32>
    %mul3A = vector.broadcast %get3A_1 : vector<1000x1xf32> to vector<1000x64xf32>
    %mul3A_16 = arith.mulf %add3A_15, %mul3A : vector<1000x64xf32>
    %get3A_17 = arith.constant 0 : index
    %get3A_18 = arith.constant 0 : index
    %get3A_19 = vector.load %arg4[%get3A_17, %get3A_18] : memref<1x64xf32, #tpu.memory_space<vmem>>, vector<1x64xf32>
    %add3A_20 = vector.broadcast %get3A_19 : vector<1x64xf32> to vector<1000x64xf32>
    %add3A_21 = arith.addf %mul3A_16, %add3A_20 : vector<1000x64xf32>
    %max3A = arith.constant 0.000000e+00 : f32
    %max3A_22 = vector.broadcast %max3A : f32 to vector<1000x64xf32>
    %max3A_23 = arith.maximumf %add3A_21, %max3A_22 : vector<1000x64xf32>
    %get3A_24 = arith.constant 0 : index
    %get3A_25 = arith.constant 0 : index
    %get3A_26 = vector.load %arg5[%get3A_24, %get3A_25] : memref<64x32xf32, #tpu.memory_space<vmem>>, vector<64x32xf32>
    %dot_general3A = arith.constant dense<0.000000e+00> : vector<1000x32xf32>
    %dot_general3A_27 = tpu.matmul %max3A_23, %get3A_26, %dot_general3A {dimension_numbers = #tpu.dot_dimension_numbers<[1], [0], [0], [1], [0, 0, 1, 1], [], []>, transpose_lhs_hint = false} : vector<1000x64xf32>, vector<64x32xf32>, vector<1000x32xf32> -> vector<1000x32xf32>
    %mul3A_28 = vector.broadcast %get3A_1 : vector<1000x1xf32> to vector<1000x32xf32>
    %mul3A_29 = arith.mulf %dot_general3A_27, %mul3A_28 : vector<1000x32xf32>
    %swap3A = arith.constant 0 : index
    %swap3A_30 = arith.constant 0 : index
    %swap3A_31 = vector.load %arg6[%swap3A, %swap3A_30] : memref<1000x32xf32, #tpu.memory_space<vmem>>, vector<1000x32xf32>
    tpu.vector_store %arg6[%swap3A, %swap3A_30], %mul3A_29 {strides = array<i32>} : memref<1000x32xf32, #tpu.memory_space<vmem>>, vector<1000x32xf32>,
    return
  }
  func.func @transform_0(%arg0: i32) -> (i32, i32, i32) {
    %c0_i32 = arith.constant 0 : i32
    %c0_i32_0 = arith.constant 0 : i32
    %c0_i32_1 = arith.constant 0 : i32
    return %c0_i32, %arg0, %c0_i32_0 : i32, i32, i32
  }
  func.func @transform_1(%arg0: i32) -> (i32, i32) {
    %c0_i32 = arith.constant 0 : i32
    %c0_i32_0 = arith.constant 0 : i32
    return %arg0, %c0_i32 : i32, i32
  }
  func.func @transform_2(%arg0: i32) -> (i32, i32) {
    %c0_i32 = arith.constant 0 : i32
    %c0_i32_0 = arith.constant 0 : i32
    return %arg0, %c0_i32 : i32, i32
  }
  func.func @transform_3(%arg0: i32) -> (i32, i32) {
    %c0_i32 = arith.constant 0 : i32
    %c0_i32_0 = arith.constant 0 : i32
    %c0_i32_1 = arith.constant 0 : i32
    return %c0_i32, %c0_i32_0 : i32, i32
  }
  func.func @transform_4(%arg0: i32) -> (i32, i32) {
    %c0_i32 = arith.constant 0 : i32
    %c0_i32_0 = arith.constant 0 : i32
    %c0_i32_1 = arith.constant 0 : i32
    return %c0_i32, %c0_i32_0 : i32, i32
  }
  func.func @transform_5(%arg0: i32) -> (i32, i32) {
    %c0_i32 = arith.constant 0 : i32
    %c0_i32_0 = arith.constant 0 : i32
    return %arg0, %c0_i32 : i32, i32
  }
}

module attributes {stable_mosaic.version = 14 : i64} {
  func.func @_tc3_body(%arg0: i32, %arg1: memref<2x1000x32xf32, #tpu.memory_space<vmem>>, %arg2: memref<1000x32xf32, #tpu.memory_space<vmem>>, %arg3: memref<1000x1xf32, #tpu.memory_space<vmem>>, %arg4: memref<1x32xf32, #tpu.memory_space<vmem>>, %arg5: memref<32x32xf32, #tpu.memory_space<vmem>>, %arg6: memref<1x32xf32, #tpu.memory_space<vmem>>, %arg7: memref<32x32xf32, #tpu.memory_space<vmem>>, %arg8: memref<1x32xf32, #tpu.memory_space<vmem>>, %arg9: memref<1000x32xf32, #tpu.memory_space<vmem>>, %arg10: memref<1000x32xf32, #tpu.memory_space<vmem>>) attributes {dimension_semantics = [#tpu.dimension_semantics<arbitrary>], iteration_bounds = array<i64: 10>, scalar_prefetch = 0 : i64, scratch_operands = 0 : i64, tpu.core_type = #tpu.core_type<tc>, window_params = [{transform_indices = @transform_0, window_bounds = array<i64: 2, 1000, 32>}, {transform_indices = @transform_1, window_bounds = array<i64: 1000, 32>}, {transform_indices = @transform_2, window_bounds = array<i64: 1000, 1>}, {pipeline_mode = #tpu.pipeline_mode<synchronous>, transform_indices = @transform_3, window_bounds = array<i64: 1, 32>}, {pipeline_mode = #tpu.pipeline_mode<synchronous>, transform_indices = @transform_4, window_bounds = array<i64: 32, 32>}, {pipeline_mode = #tpu.pipeline_mode<synchronous>, transform_indices = @transform_5, window_bounds = array<i64: 1, 32>}, {pipeline_mode = #tpu.pipeline_mode<synchronous>, transform_indices = @transform_6, window_bounds = array<i64: 32, 32>}, {pipeline_mode = #tpu.pipeline_mode<synchronous>, transform_indices = @transform_7, window_bounds = array<i64: 1, 32>}, {transform_indices = @transform_8, window_bounds = array<i64: 1000, 32>}, {transform_indices = @transform_9, window_bounds = array<i64: 1000, 32>}]} {
    %get3A = arith.constant 0 : index
    %get3A_0 = arith.constant 0 : index
    %get3A_1 = vector.load %arg3[%get3A, %get3A_0] : memref<1000x1xf32, #tpu.memory_space<vmem>>, vector<1000x1xf32>
    %get3A_2 = arith.constant 0 : index
    %get3A_3 = arith.constant 0 : index
    %get3A_4 = arith.constant 0 : index
    %get3A_5 = vector.load %arg1[%get3A_2, %get3A_3, %get3A_4] : memref<2x1000x32xf32, #tpu.memory_space<vmem>>, vector<1x1000x32xf32>
    %get3A_6 = vector.shape_cast %get3A_5 : vector<1x1000x32xf32> to vector<1000x32xf32>
    %get3A_7 = arith.constant 1 : index
    %get3A_8 = arith.constant 0 : index
    %get3A_9 = arith.constant 0 : index
    %get3A_10 = vector.load %arg1[%get3A_7, %get3A_8, %get3A_9] : memref<2x1000x32xf32, #tpu.memory_space<vmem>>, vector<1x1000x32xf32>
    %get3A_11 = vector.shape_cast %get3A_10 : vector<1x1000x32xf32> to vector<1000x32xf32>
    %add3A = arith.addf %get3A_6, %get3A_11 : vector<1000x32xf32>
    %get3A_12 = arith.constant 0 : index
    %get3A_13 = arith.constant 0 : index
    %get3A_14 = vector.load %arg2[%get3A_12, %get3A_13] : memref<1000x32xf32, #tpu.memory_space<vmem>>, vector<1000x32xf32>
    %add3A_15 = arith.addf %add3A, %get3A_14 : vector<1000x32xf32>
    %mul3A = vector.broadcast %get3A_1 : vector<1000x1xf32> to vector<1000x32xf32>
    %mul3A_16 = arith.mulf %add3A_15, %mul3A : vector<1000x32xf32>
    %get3A_17 = arith.constant 0 : index
    %get3A_18 = arith.constant 0 : index
    %get3A_19 = vector.load %arg4[%get3A_17, %get3A_18] : memref<1x32xf32, #tpu.memory_space<vmem>>, vector<1x32xf32>
    %add3A_20 = vector.broadcast %get3A_19 : vector<1x32xf32> to vector<1000x32xf32>
    %add3A_21 = arith.addf %mul3A_16, %add3A_20 : vector<1000x32xf32>
    %get3A_22 = arith.constant 0 : index
    %get3A_23 = arith.constant 0 : index
    %get3A_24 = vector.load %arg5[%get3A_22, %get3A_23] : memref<32x32xf32, #tpu.memory_space<vmem>>, vector<32x32xf32>
    %dot_general3A = arith.constant dense<0.000000e+00> : vector<1000x32xf32>
    %dot_general3A_25 = tpu.matmul %add3A_21, %get3A_24, %dot_general3A {dimension_numbers = #tpu.dot_dimension_numbers<[1], [0], [0], [1], [0, 0, 1, 1], [], []>, transpose_lhs_hint = false} : vector<1000x32xf32>, vector<32x32xf32>, vector<1000x32xf32> -> vector<1000x32xf32>
    %get3A_26 = arith.constant 0 : index
    %get3A_27 = arith.constant 0 : index
    %get3A_28 = vector.load %arg6[%get3A_26, %get3A_27] : memref<1x32xf32, #tpu.memory_space<vmem>>, vector<1x32xf32>
    %add3A_29 = vector.broadcast %get3A_28 : vector<1x32xf32> to vector<1000x32xf32>
    %add3A_30 = arith.addf %dot_general3A_25, %add3A_29 : vector<1000x32xf32>
    %swap3A = arith.constant 0 : index
    %swap3A_31 = arith.constant 0 : index
    %swap3A_32 = vector.load %arg9[%swap3A, %swap3A_31] : memref<1000x32xf32, #tpu.memory_space<vmem>>, vector<1000x32xf32>
    tpu.vector_store %arg9[%swap3A, %swap3A_31], %add3A_30 {strides = array<i32>} : memref<1000x32xf32, #tpu.memory_space<vmem>>, vector<1000x32xf32>,
    %get3A_33 = arith.constant 0 : index
    %get3A_34 = arith.constant 0 : index
    %get3A_35 = vector.load %arg7[%get3A_33, %get3A_34] : memref<32x32xf32, #tpu.memory_space<vmem>>, vector<32x32xf32>
    %dot_general3A_36 = arith.constant dense<0.000000e+00> : vector<1000x32xf32>
    %dot_general3A_37 = tpu.matmul %add3A_21, %get3A_35, %dot_general3A_36 {dimension_numbers = #tpu.dot_dimension_numbers<[1], [0], [0], [1], [0, 0, 1, 1], [], []>, transpose_lhs_hint = false} : vector<1000x32xf32>, vector<32x32xf32>, vector<1000x32xf32> -> vector<1000x32xf32>
    %get3A_38 = arith.constant 0 : index
    %get3A_39 = arith.constant 0 : index
    %get3A_40 = vector.load %arg8[%get3A_38, %get3A_39] : memref<1x32xf32, #tpu.memory_space<vmem>>, vector<1x32xf32>
    %add3A_41 = vector.broadcast %get3A_40 : vector<1x32xf32> to vector<1000x32xf32>
    %add3A_42 = arith.addf %dot_general3A_37, %add3A_41 : vector<1000x32xf32>
    %swap3A_43 = arith.constant 0 : index
    %swap3A_44 = arith.constant 0 : index
    %swap3A_45 = vector.load %arg10[%swap3A_43, %swap3A_44] : memref<1000x32xf32, #tpu.memory_space<vmem>>, vector<1000x32xf32>
    tpu.vector_store %arg10[%swap3A_43, %swap3A_44], %add3A_42 {strides = array<i32>} : memref<1000x32xf32, #tpu.memory_space<vmem>>, vector<1000x32xf32>,
    return
  }
  func.func @transform_0(%arg0: i32) -> (i32, i32, i32) {
    %c0_i32 = arith.constant 0 : i32
    %c0_i32_0 = arith.constant 0 : i32
    %c0_i32_1 = arith.constant 0 : i32
    return %c0_i32, %arg0, %c0_i32_0 : i32, i32, i32
  }
  func.func @transform_1(%arg0: i32) -> (i32, i32) {
    %c0_i32 = arith.constant 0 : i32
    %c0_i32_0 = arith.constant 0 : i32
    return %arg0, %c0_i32 : i32, i32
  }
  func.func @transform_2(%arg0: i32) -> (i32, i32) {
    %c0_i32 = arith.constant 0 : i32
    %c0_i32_0 = arith.constant 0 : i32
    return %arg0, %c0_i32 : i32, i32
  }
  func.func @transform_3(%arg0: i32) -> (i32, i32) {
    %c0_i32 = arith.constant 0 : i32
    %c0_i32_0 = arith.constant 0 : i32
    %c0_i32_1 = arith.constant 0 : i32
    return %c0_i32, %c0_i32_0 : i32, i32
  }
  func.func @transform_4(%arg0: i32) -> (i32, i32) {
    %c0_i32 = arith.constant 0 : i32
    %c0_i32_0 = arith.constant 0 : i32
    %c0_i32_1 = arith.constant 0 : i32
    return %c0_i32, %c0_i32_0 : i32, i32
  }
  func.func @transform_5(%arg0: i32) -> (i32, i32) {
    %c0_i32 = arith.constant 0 : i32
    %c0_i32_0 = arith.constant 0 : i32
    %c0_i32_1 = arith.constant 0 : i32
    return %c0_i32, %c0_i32_0 : i32, i32
  }
  func.func @transform_6(%arg0: i32) -> (i32, i32) {
    %c0_i32 = arith.constant 0 : i32
    %c0_i32_0 = arith.constant 0 : i32
    %c0_i32_1 = arith.constant 0 : i32
    return %c0_i32, %c0_i32_0 : i32, i32
  }
  func.func @transform_7(%arg0: i32) -> (i32, i32) {
    %c0_i32 = arith.constant 0 : i32
    %c0_i32_0 = arith.constant 0 : i32
    %c0_i32_1 = arith.constant 0 : i32
    return %c0_i32, %c0_i32_0 : i32, i32
  }
  func.func @transform_8(%arg0: i32) -> (i32, i32) {
    %c0_i32 = arith.constant 0 : i32
    %c0_i32_0 = arith.constant 0 : i32
    return %arg0, %c0_i32 : i32, i32
  }
  func.func @transform_9(%arg0: i32) -> (i32, i32) {
    %c0_i32 = arith.constant 0 : i32
    %c0_i32_0 = arith.constant 0 : i32
    return %arg0, %c0_i32 : i32, i32
  }
}

</mosaic_0001>

<sc_bundles>
// kernel: kernel.11.cloned.1.call-start
scs
__scs_entry_jumppad:
0x0: {  	(pc) =	sbr.rel $0x88, $3  }
0x1: {  	(tag) =	ssettag $0x0;
	lr =	simm.s32 $0x1  }
0x2: {  	[smem:$0x3F97] =	sst lr;
	_ =	strace $0xD0000000  }
0x3: {  	_ = 	snop  }
0x4: {  	_ = 	snop  }
0x5: {  	_ = 	snop  }
0x6: {  	_ = 	snop  }
0x7: {  	_ = 	snop  }
__scs_overlays_trampoline_lowered:
0x8: {  	[smem:$0x3FA6] =	sst s0  }
0x9: {  	[smem:$0x3FA7] =	sst s1  }
0xa: {  	[smem:$0x3FA8] =	sst s2  }
0xb: {  	[smem:$0x3FA9] =	sst s3  }
0xc: {  	[smem:$0x3FAA] =	sst s4  }
0xd: {  	[smem:$0x3FAB] =	sst s5  }
0xe: {  	[smem:$0x3FAC] =	sst s6  }
0xf: {  	[smem:$0x3FAD] =	sst s7  }
0x10: {  	[smem:$0x3FAE] =	sst s8  }
0x11: {  	[smem:$0x3FAF] =	sst s9;
	s0 =	simm.s32 @!p0 $0x0  }
0x12: {  	s1 =	sld [smem:$0x3F95];
	s0 =	simm.s32 @p0 $0x1  }
0x13: {  	[smem:$0x3FB0] =	sst s0;
	s0 =	simm.s32 @!p1 $0x0  }
0x14: {  	s2 =	sld [smem:$0x3F94];
	s0 =	simm.s32 @p1 $0x1  }
0x15: {  	[smem:$0x3FB1] =	sst s0;
	s0 =	simm.s32 @!p2 $0x0  }
0x16: {  	s3 =	sld [smem:$0x3FDB];
	s0 =	simm.s32 @p2 $0x1  }
0x17: {  	s4 =	simm.s32 $0x1BF5;
	[smem:$0x3FB3] =	sst s0  }
0x18: {  	s0 =	sld [smem:$0x3F96];
	_ =	swait.ge [sflag:s4], $0x0  }
0x19: {  	s7 =	sld [smem:$0x3F97]  }
0x1a: {  	s8 =	sadd.s32 $0xFFFFE003, lr  }
0x1b: {  	s9 =	sadd.s32 $0xFFFFFEF7, lr;
	s5 =	simm.s32 $0xFFFFFFFF;
	p2 =	slt.u32 s8, $0xFFFFF086  }
0x1c: {  	p1 =	slt.u32 s9, $0xF7A;
	s5 =	simm.s32 @!p2 $0x0  }
0x1d: {  	s5 =	simm.s32 @p1 $0x1;
	p0 =	seq.s32 s7, s2  }
0x1e: {  	s7 =	smul.u32 @!p0 $0xF7A, s2;
	p2 =	seq.s32 @!p0 s5, $0x0  }
0x1f: {  	s9 =	smul.u32 $0xF7A, s1;
	s8 =	simm.s32 @!p0 $0x1BF5;
	p2 =	por !p2, p0  }
0x20: {  	[sflag:s8] =	ssyncset.s32 @!p0 $0xFFFFF086;
	s6 =	sadd.s32 @!p0 s3, s7;
	s7 =	simm.s32 @!p0 $0x108  }
0x21: {  	s3 =	sadd.s32 s3, s9;
	s6 =	sadd.s32 @!p0 $0x88, s6;
	s7 =	simm.s32 @p2 $0x1082  }
0x22: {  	[simem:s7], [sflag:s8] =	dma.local @!p0 [hbm:s6], $0xF7A  }
0x23: {  	s9 =	sor.u32 $0xD0000000, s2;
	s6 =	simm.s32 $0x108;
	_ =	swait.ge @!p0 [sflag:s8], $0x0  }
0x24: {  	s3 =	sadd.s32 $0x88, s3;
	s6 =	simm.s32 @!p1 $0x1082;
	[sflag:s4] =	ssyncset.s32 $0xFFFFF086  }
0x25: {  	[simem:s6], [sflag:s4] =	dma.local [hbm:s3], $0xF7A  }
0x26: {  	[smem:$0x3F97] =	sst s1;
	(tag) =	ssettag s2;
	_ =	strace s9  }
0x27: {  	s1 =	sld [smem:$0x3FA7]  }
0x28: {  	s2 =	sld [smem:$0x3FA8]  }
0x29: {  	s4 =	sld [smem:$0x3FAA]  }
0x2a: {  	p0 =	seq.s32 s5, $0x0;
	s5 =	sld [smem:$0x3FAB]  }
0x2b: {  	s6 =	sld [smem:$0x3FAC]  }
0x2c: {  	s7 =	sld [smem:$0x3FAD]  }
0x2d: {  	s3 =	simm.s32 $0x108;
	s8 =	sld [smem:$0x3FAE]  }
0x2e: {  	s3 =	simm.s32 @!p0 $0x1082;
	s9 =	sld [smem:$0x3FAF]  }
0x2f: {  	lr =	sadd.s32 s0, s3;
	s0 =	sld [smem:$0x3FA6]  }
0x30: {  	s3 =	sld [smem:$0x3FA9]  }
0x31: {  	[smem:$0x3FB2] =	sst s10  }
0x32: {  	s10 =	sld [smem:$0x3FB0];
	_ =	sdelay $0x3  }
0x33: {  	p0 =	seq.s32 s10, $0x1;
	s10 =	sld [smem:$0x3FB2];
	_ =	sdelay $0x3  }
0x34: {  	[smem:$0x3FB2] =	sst s10  }
0x35: {  	s10 =	sld [smem:$0x3FB1];
	_ =	sdelay $0x3  }
0x36: {  	p1 =	seq.s32 s10, $0x1;
	s10 =	sld [smem:$0x3FB2];
	_ =	sdelay $0x3  }
0x37: {  	[smem:$0x3FB2] =	sst s10  }
0x38: {  	s10 =	sld [smem:$0x3FB3]  }
0x39: {  	_ = 	snop;
	(pc) =	sbr.ind lr, $3  }
0x3a: {  	_ = 	snop  }
0x3b: {  	_ = 	snop  }
0x3c: {  	p2 =	seq.s32 s10, $0x1;
	s10 =	sld [smem:$0x3FB2]  }
0x3d: {  	_ =	shalt  }
0x3e: {  	_ =	shalt  }
0x3f: {  	_ =	shalt  }
0x40: {  	_ =	shalt  }
0x41: {  	_ =	shalt  }
0x42: {  	_ =	shalt  }
0x43: {  	_ =	shalt  }
0x44: {  	_ =	shalt  }
0x45: {  	_ =	shalt  }
0x46: {  	_ =	shalt  }
0x47: {  	_ =	shalt  }
0x48: {  	_ =	shalt  }
0x49: {  	_ =	shalt  }
0x4a: {  	_ =	shalt  }
0x4b: {  	_ =	shalt  }
0x4c: {  	_ =	shalt  }
0x4d: {  	_ =	shalt  }
0x4e: {  	_ =	shalt  }
0x4f: {  	_ =	shalt  }
0x50: {  	_ =	shalt  }
0x51: {  	_ =	shalt  }
0x52: {  	_ =	shalt  }
0x53: {  	_ =	shalt  }
0x54: {  	_ =	shalt  }
0x55: {  	_ =	shalt  }
0x56: {  	_ =	shalt  }
0x57: {  	_ =	shalt  }
0x58: {  	_ =	shalt  }
0x59: {  	_ =	shalt  }
0x5a: {  	_ =	shalt  }
0x5b: {  	_ =	shalt  }
0x5c: {  	_ =	shalt  }
0x5d: {  	_ =	shalt  }
0x5e: {  	_ =	shalt  }
0x5f: {  	_ =	shalt  }
0x60: {  	_ =	shalt  }
0x61: {  	_ =	shalt  }
0x62: {  	_ =	shalt  }
0x63: {  	_ =	shalt  }
0x64: {  	_ =	shalt  }
0x65: {  	_ =	shalt  }
0x66: {  	_ =	shalt  }
0x67: {  	_ =	shalt  }
0x68: {  	_ =	shalt  }
0x69: {  	_ =	shalt  }
0x6a: {  	_ =	shalt  }
0x6b: {  	_ =	shalt  }
0x6c: {  	_ =	shalt  }
0x6d: {  	_ =	shalt  }
0x6e: {  	_ =	shalt  }
0x6f: {  	_ =	shalt  }
0x70: {  	_ =	shalt  }
0x71: {  	_ =	shalt  }
0x72: {  	_ =	shalt  }
0x73: {  	_ =	shalt  }
0x74: {  	_ =	shalt  }
0x75: {  	_ =	shalt  }
0x76: {  	_ =	shalt  }
0x77: {  	_ =	shalt  }
0x78: {  	_ =	shalt  }
0x79: {  	_ =	shalt  }
0x7a: {  	_ =	shalt  }
0x7b: {  	_ =	shalt  }
0x7c: {  	_ =	shalt  }
0x7d: {  	_ =	shalt  }
0x7e: {  	_ =	shalt  }
0x7f: {  	_ =	shalt  }
0x80: {  	_ =	shalt  }
0x81: {  	_ =	shalt  }
0x82: {  	_ =	shalt  }
0x83: {  	_ =	shalt  }
0x84: {  	_ =	shalt  }
0x85: {  	_ =	shalt  }
0x86: {  	_ =	shalt  }
0x87: {  	_ =	shalt  }
.Lfunc_end0:
.L_simem_size_0:
called_computation.1_lowered:
.L_overlay_start_0:
0x88: {  	s2 =	sld [smem:$0x3FD9]  }
0x89: {  	s3 =	sld [smem:$0x3FFE];
	_ =	sdelay $0x1  }
0x8a: {  	s1 =	srdreg.scid  }
0x8b: {  	s0 =	sand.u32 $0x1, s1  }
0x8c: {  	s14 =	sshll.u32 s0, $0xA;
	s2 =	sadd.s32 s3, s2  }
0x8d: {  	s2 =	sadd.s32 s2, s14  }
0x8e: {  	[smem:$0x3FBE] =	sst s2  }
0x8f: {  	_ = 	snop  }
0x90: {  	s2 =	sld [smem:$0x3FD0];
	_ =	sdelay $0x2  }
0x91: {  	s15 =	simm.s32 $0xA;
	s4 =	simm.s32 $0x10  }
0x92: {  	[smem:s4], [sflag:s15] =	dma.local [hbm:s2], $0x1  }
0x93: {  	_ =	swait.eq [sflag:s15], $0x1  }
0x94: {  	[sflag:s15] =	ssyncset.done $0x0  }
0x95: {  	[sflag:s15] =	ssyncadd.s32 $0xFFFFFFFF  }
0x96: {  	s16 =	sld [smem:$0x11];
	(tm) =	ssettm $0x1  }
0x97: {  	s17 =	sld [smem:$0x3FFB];
	_ =	sdelay $0x3  }
0x98: {  	_ =	strace s17  }
0x99: {  	s3 =	sld [smem:$0x3FFC];
	_ =	sdelay $0x3  }
0x9a: {  	_ =	strace s3  }
0x9b: {  	s3 =	sld [smem:$0x3FFD];
	_ =	sdelay $0x3  }
0x9c: {  	_ =	strace s3  }
0x9d: {  	_ =	strace $0x8FFFFFFF  }
0x9e: {  	s18 =	sld [smem:$0x3FDB];
	_ =	sdelay $0x1  }
0x9f: {  	s19 =	simm.s32 $_scs_section_size  }
0xa0: {  	s5 =	simm.s32 $_size__tile_overlayer_lowered;
	s6 =	simm.s32 $_tile_overlayer_lowered  }
0xa1: {  	s22 =	simm.s32 $0x1BFF;
	s21 =	sshll.u32 s6, $0x1;
	s3 =	sadd.s32 s19, s18  }
0xa2: {  	s7 =	simm.s32 $0x0;
	s20 =	sshll.u32 s5, $0x1;
	s5 =	sadd.s32 s21, s3  }
0xa3: {  	[timem:s7], [sflag:s22] =	dma.local [hbm:s5], s20  }
0xa4: {  	_ =	swait.ge [sflag:s22], s20  }
0xa5: {  	s4 =	ssub.s32 $0x0, s20;
	[sflag:s22] =	ssyncset.done $0x0  }
0xa6: {  	[sflag:s22] =	ssyncadd.s32 s4;
	_ =	sdelay $0x1  }
0xa7: {  	s23 =	simm.s32 $0x1B8B  }
0xa8: {  	_ =	swait.ge [sflag:s23], $0x1  }
0xa9: {  	[sflag:s23] =	ssyncset.done $0x0  }
0xaa: {  	s25 =	simm.s32 $0x1B8E;
	s24 =	sld [smem:$0x3FFE];
	[sflag:s23] =	ssyncadd.s32 $0xFFFFFFFF  }
0xab: {  	s26 =	simm.s32 $execute0_lowered;
	[smem:$0x3FD2] =	sst s25  }
0xac: {  	s5 =	sshll.u32 s26, $0x1;
	_ =	strace $0x80000049;
	[dreg:$0x1] =	wrdreg $0xFFFFFFFF  }
0xad: {  	s28 =	simm.s32 $_size_execute0_lowered;
	s3 =	sadd.s32 s3, s5;
	[dreg:$0x0] =	wrdreg $0x0  }
0xae: {  	s5 =	sshll.u32 s28, $0x1;
	[dreg:$0x2] =	wrdreg s3  }
0xaf: {  	[dreg:$0x3] =	wrdreg s5  }
0xb0: {  	[dreg:$0x4] =	wrdreg $0xC0  }
0xb1: {  	_ =	task [dreg:s7], $0x5FFFF  }
0xb2: {  	[dreg:$0x1] =	wrdreg $0xFFFFFFFF  }
0xb3: {  	[dreg:$0x0] =	wrdreg $0x60  }
0xb4: {  	[dreg:$0x2] =	wrdreg s24  }
0xb5: {  	[dreg:$0x3] =	wrdreg s16  }
0xb6: {  	[dreg:$0x4] =	wrdreg $0x90000  }
0xb7: {  	[dreg:$0x5] =	wrdreg $0x9  }
0xb8: {  	_ =	task.clear_ibuf [dreg:s7], $0x6FFFF;
	_ =	strace $0x90000049  }
0xb9: {  	s29 =	simm.s32 $0x9;
	_ =	strace $0x8000004B  }
0xba: {  	_ =	swait.ge [sflag:s29], $0x1  }
0xbb: {  	[sflag:s29] =	ssyncadd.s32 $0xFFFFFFFF  }
0xbc: {  	_ =	strace $0x9000004B  }
0xbd: {  	_ =	sfence  }
0xbe: {  	s30 =	sld [smem:$0x0];
	_ =	sdelay $0x2  }
0xbf: {  	s31 =	sshll.u32 s1, $0xD;
	s1 =	sshrl.u32 s1, $0x2  }
0xc0: {  	s3 =	sand.u32 $0x4000, s31;
	s1 =	sadd.s32 s1, s30  }
0xc1: {  	s0 =	sor.u32 s3, s0;
	s1 =	sshll.u32 s1, $0x11  }
0xc2: {  	s0 =	sor.u32 s1, s0  }
0xc3: {  	s0 =	sadd.s32 $0x8F2B, s0  }
0xc4: {  	[sflag:s0] =	ssyncadd.remote.s32 $0x1  }
0xc5: {  	_ =	sfence.sel $0xFFFF  }
0xc6: {  	[dreg:$0x0] =	wrdreg $0xFFFFFFFF;
	(pc) =	sbr.abs _section_cstart, $3  }
0xc7: {  	[dreg:$0x1] =	wrdreg $0xFFFFFFFF  }
0xc8: {  	_ =	task.clear_ibuf [dreg:s7], $0x2FFFF;
	_ =	strace $0x9FFFFFFF  }
0xc9: {  	(tm) =	ssettm $0x7FFFFFFF  }
tec
execute0_lowered:
.L_overlay_start_1:
0x0: {  	(tag) =	ssettag $0x1  }
0x1: {  	s6 =	rddreg [dreg:$0x0]  }
0x2: {  	s1 =	rddreg [dreg:$0x1]  }
0x3: {  	s3 =	rddreg [dreg:$0x2]  }
0x4: {  	s0 =	rddreg [dreg:$0x3];
	s4 =	simm.s32 $0x0;
	s5 =	srdreg.scid  }
0x5: {  	s2 =	stileid.u32;
	s14 =	simm.s32 $0x80;
	s15 =	simm.s32 $0x5000  }
0x6: {  	s16 =	simm.s32 $0x7000;
	s17 =	simm.s32 $0x1;
	s18 =	simm.s32 $0x2  }
0x7: {  	s19 =	simm.s32 $0x2780;
	s20 =	simm.s32 $0x4F00;
	s21 =	simm.s32 $0x4F80  }
0x8: {  	s22 =	simm.s32 $0x0;
	s7 =	sand.u32 $0x1, s5;
	s31 =	sshll.u32 s2, $0x1  }
0x9: {  	s8 =	smul.u32 $0xA000, s2;
	[smem:$0x7FF] =	sst s4;
	s12 =	sshll.u32 s2, $0x6  }
0xa: {  	s5 =	sor.u32 s7, s31;
	s9 =	smul.u32 $0xA0000, s7;
	_ =	strace $0x8000004A  }
0xb: {  	s7 =	ssub.s32 $0x2, s7;
	s12 =	sor.u32 $0x1C03, s12;
	s10 =	smul.u32 $0x500, s5  }
0xc: {  	s5 =	sadd.s32 $0x16200, s6;
	s11 =	sshrl.u32 s7, $0x1;
	s9 =	sadd.s32 s8, s9  }
0xd: {  	s13 =	sadd.s32 s8, s3;
	s11 =	ssub.s32 s7, s11;
	s9 =	sshrl.u32 s9, $0x3  }
0xe: {  	s13 =	sshrl.u32 s13, $0x3;
	s10 =	sadd.s32 s10, s6;
	s9 =	sadd.s32 s9, s6  }
0xf: {  	s6 =	sadd.s32 $0x2200, s10;
	s7 =	sadd.s32 $0xC200, s10;
	s10 =	simm.s32 $0x3  }
0x10: {  	s8 =	sadd.s32 $0x2A200, s9;
	s9 =	smax.u32 s11, $0x1;
	s11 =	simm.s32 $0x2800  }
.LBB2_1:
0x11: {  	[tilespmem:s4], [sflag:$0x3] =	stream.linear.gather [hbm4b:s6+s4], $0x2800, $0x38;
	[tilespmem:$0x13000] =	vst v63  }
0x12: {  	_ =	swait.ge [sflag:s10], $0x2800  }
0x13: {  	[sflag:s10] =	ssyncset.done $0x0  }
0x14: {  	[sflag:s10] =	ssyncadd.s32 $0xFFFFD800  }
0x15: {  	[tilespmem:s11], [sflag:$0x3] =	stream.linear.gather [hbm4b:s7+s4], $0x2800, $0x38;
	[tilespmem:$0x13000] =	vst v63  }
0x16: {  	_ =	swait.ge [sflag:s10], $0x2800  }
0x17: {  	[sflag:s10] =	ssyncset.done $0x0  }
0x18: {  	[sflag:s10] =	ssyncadd.s32 $0xFFFFD800  }
0x19: {  	[spmem:s13], [sflag:s12] =	dma.local [hbm:s1], $0x1400  }
0x1a: {  	_ =	swait.ge [sflag:s10], $0x1400  }
0x1b: {  	[sflag:s10] =	ssyncset.done $0x0  }
0x1c: {  	[sflag:s10] =	ssyncadd.s32 $0xFFFFEC00  }
0x1d: {  	[bflag:$0x0] =	sbarrier.arrive $0xFFFF  }
0x1e: {  	[tilespmem:s15], [sflag:$0x1] =	stream.indirect.gather [hbm4b:s5+s14], $0x40, s4, s14, $0xb8;
	[tilespmem:$0x13000] =	vst v63  }
0x1f: {  	s23 =	simm.s32 $0x80  }
0x20: {  	[tilespmem:s16], [sflag:$0x2] =	stream.indirect.gather [hbm4b:s5+s14], $0x40, s23, s14, $0xb8;
	[tilespmem:$0x13000] =	vst v63  }
0x21: {  	_ =	swait.ge [sflag:s17], $0x2000  }
0x22: {  	[sflag:s17] =	ssyncset.done $0x0  }
0x23: {  	s29 =	simm.s32 $0x2800;
	[sflag:s17] =	ssyncadd.s32 $0xFFFFE000  }
0x24: {  	[spmem:s3] =	stream.indirect.scatter.add.f32 [tilespmem:s15], [sflag:$0x3], $0x40, s29, s14, $0xb8;
	[tilespmem:$0x13000] =	vst v63  }
0x25: {  	_ =	swait.ge [sflag:s10], $0x2000  }
0x26: {  	[sflag:s10] =	ssyncset.done $0x0  }
0x27: {  	s30 =	simm.s32 $0x100;
	[sflag:s10] =	ssyncadd.s32 $0xFFFFE000  }
0x28: {  	[tilespmem:s15], [sflag:$0x1] =	stream.indirect.gather [hbm4b:s5+s14], $0x40, s30, s14, $0xb8;
	[tilespmem:$0x13000] =	vst v63  }
0x29: {  	_ =	swait.ge [sflag:s18], $0x2000  }
0x2a: {  	[sflag:s18] =	ssyncset.done $0x0  }
0x2b: {  	s31 =	simm.s32 $0x2880;
	[sflag:s18] =	ssyncadd.s32 $0xFFFFE000  }
0x2c: {  	[spmem:s3] =	stream.indirect.scatter.add.f32 [tilespmem:s16], [sflag:$0x3], $0x40, s31, s14, $0xb8;
	[tilespmem:$0x13000] =	vst v63  }
0x2d: {  	_ =	swait.ge [sflag:s10], $0x2000  }
0x2e: {  	s24 =	simm.s32 $0x800;
	s23 =	simm.s32 $0x100;
	[sflag:s10] =	ssyncset.done $0x0  }
.LBB2_2:
0x2f: {  	s25 =	sadd.s32 $0x80, s23  }
0x30: {  	[sflag:s10] =	ssyncadd.s32 $0xFFFFE000;
	s26 =	smov.u32 s24;
	s28 =	sadd.s32 $0x400, s24  }
0x31: {  	[tilespmem:s16], [sflag:$0x2] =	stream.indirect.gather [hbm4b:s5+s14], $0x40, s25, s14, $0xb8;
	[tilespmem:$0x13000] =	vst v63  }
0x32: {  	p0 =	sne.s32 s24, $0x9800;
	_ =	swait.ge [sflag:s17], $0x2000  }
0x33: {  	[sflag:s17] =	ssyncset.done $0x0  }
0x34: {  	s24 =	sadd.s32 $0x2800, s23;
	[sflag:s17] =	ssyncadd.s32 $0xFFFFE000  }
0x35: {  	[spmem:s3] =	stream.indirect.scatter.add.f32 [tilespmem:s15], [sflag:$0x3], $0x40, s24, s14, $0xb8;
	[tilespmem:$0x13000] =	vst v63  }
0x36: {  	_ =	swait.ge [sflag:s10], $0x2000  }
0x37: {  	[sflag:s10] =	ssyncset.done $0x0  }
0x38: {  	s24 =	sadd.s32 $0x100, s23;
	[sflag:s10] =	ssyncadd.s32 $0xFFFFE000  }
0x39: {  	[tilespmem:s15], [sflag:$0x1] =	stream.indirect.gather [hbm4b:s5+s14], $0x40, s24, s14, $0xb8;
	[tilespmem:$0x13000] =	vst v63  }
0x3a: {  	_ =	swait.ge [sflag:s18], $0x2000  }
.Ltmp0:
0x3b: {  	[sflag:s18] =	ssyncset.done $0x0;
	(pc) =	sbr.rel @p0 .LBB2_2-.Ltmp0, $4  }
0x3c: {  	s23 =	sadd.s32 $0x2880, s23;
	[sflag:s18] =	ssyncadd.s32 $0xFFFFE000  }
0x3d: {  	[spmem:s3] =	stream.indirect.scatter.add.f32 [tilespmem:s16], [sflag:$0x3], $0x40, s23, s14, $0xb8;
	[tilespmem:$0x13000] =	vst v63  }
0x3e: {  	_ =	swait.ge [sflag:s10], $0x2000  }
0x3f: {  	s24 =	smov.u32 s28;
	s23 =	sshra.s32 s26, $0x2;
	[sflag:s10] =	ssyncset.done $0x0  }
0x40: {  	s24 =	sadd.s32 $0x80, s23;
	[sflag:s10] =	ssyncadd.s32 $0xFFFFE000  }
0x41: {  	[tilespmem:s16], [sflag:$0x2] =	stream.indirect.gather [hbm4b:s5+s14], $0x40, s24, s14, $0xb8;
	[tilespmem:$0x13000] =	vst v63  }
0x42: {  	_ =	swait.ge [sflag:s17], $0x2000  }
0x43: {  	[sflag:s17] =	ssyncset.done $0x0  }
0x44: {  	s29 =	sadd.s32 $0x2800, s23;
	[sflag:s17] =	ssyncadd.s32 $0xFFFFE000  }
0x45: {  	[spmem:s3] =	stream.indirect.scatter.add.f32 [tilespmem:s15], [sflag:$0x3], $0x40, s29, s14, $0xb8;
	[tilespmem:$0x13000] =	vst v63  }
0x46: {  	_ =	swait.ge [sflag:s10], $0x2000  }
0x47: {  	[sflag:s10] =	ssyncset.done $0x0  }
0x48: {  	s30 =	sadd.s32 $0x100, s23;
	[sflag:s10] =	ssyncadd.s32 $0xFFFFE000  }
0x49: {  	[tilespmem:s15], [sflag:$0x1] =	stream.indirect.gather [hbm4b:s5+s14], $0x40, s30, s14, $0xb8;
	[tilespmem:$0x13000] =	vst v63  }
0x4a: {  	_ =	swait.ge [sflag:s18], $0x2000  }
0x4b: {  	[sflag:s18] =	ssyncset.done $0x0  }
0x4c: {  	s31 =	sadd.s32 $0x2880, s23;
	[sflag:s18] =	ssyncadd.s32 $0xFFFFE000  }
0x4d: {  	[spmem:s3] =	stream.indirect.scatter.add.f32 [tilespmem:s16], [sflag:$0x3], $0x40, s31, s14, $0xb8;
	[tilespmem:$0x13000] =	vst v63  }
0x4e: {  	_ =	swait.ge [sflag:s10], $0x2000  }
0x4f: {  	[sflag:s10] =	ssyncset.done $0x0  }
0x50: {  	[sflag:s10] =	ssyncadd.s32 $0xFFFFE000  }
0x51: {  	[tilespmem:s16], [sflag:$0x2] =	stream.indirect.gather [hbm4b:s5+s14], $0x40, s19, s14, $0xb8;
	[tilespmem:$0x13000] =	vst v63  }
0x52: {  	_ =	swait.ge [sflag:s17], $0x2000  }
0x53: {  	[sflag:s17] =	ssyncset.done $0x0  }
0x54: {  	[sflag:s17] =	ssyncadd.s32 $0xFFFFE000  }
0x55: {  	[spmem:s3] =	stream.indirect.scatter.add.f32 [tilespmem:s15], [sflag:$0x3], $0x40, s20, s14, $0xb8;
	[tilespmem:$0x13000] =	vst v63  }
0x56: {  	_ =	swait.ge [sflag:s10], $0x2000  }
0x57: {  	[sflag:s10] =	ssyncset.done $0x0  }
0x58: {  	[sflag:s10] =	ssyncadd.s32 $0xFFFFE000  }
0x59: {  	_ =	swait.ge [sflag:s18], $0x2000  }
0x5a: {  	[sflag:s18] =	ssyncset.done $0x0  }
0x5b: {  	[sflag:s18] =	ssyncadd.s32 $0xFFFFE000  }
0x5c: {  	[spmem:s3] =	stream.indirect.scatter.add.f32 [tilespmem:s16], [sflag:$0x3], $0x40, s21, s14, $0xb8;
	[tilespmem:$0x13000] =	vst v63  }
0x5d: {  	_ =	swait.ge [sflag:s10], $0x2000  }
0x5e: {  	s22 =	sadd.s32 $0x1, s22;
	[sflag:s10] =	ssyncset.done $0x0  }
0x5f: {  	p0 =	sne.s32 s22, s9;
	[sflag:s10] =	ssyncadd.s32 $0xFFFFE000  }
.Ltmp1:
0x60: {  	[bflag:$0x0] =	sbarrier.arrive $0xFFFF;
	(pc) =	sbr.rel @p0 .LBB2_1-.Ltmp1, $4  }
0x61: {  	[hbm:s8], [sflag:s12] =	dma.local [spmem:s13], $0x1400  }
0x62: {  	_ =	swait.ge [sflag:s10], $0x1400  }
0x63: {  	[sflag:s10] =	ssyncset.done $0x0  }
0x64: {  	[sflag:s10] =	ssyncadd.s32 $0xFFFFEC00  }
0x65: {  	_ =	sfence.sel $0x180000  }
0x66: {  	[bflag:$0x0] =	sbarrier.arrive $0xFFFF  }
0x67: {  	p0 =	sne.s32 s2, $0x0;
	_ =	strace $0x9000004A  }
0x68: {  	s0 =	sadd.s32 @!p0 $0x100000, s0;
	[bflag:$0x2] =	sbarrier.arrive $0xFFFF  }
0x69: {  	[sflag:s0] =	ssyncadd.tile.s32 @!p0 $0x1;
	_ =	shalt  }
.Lfunc_end2:
_tile_overlayer_lowered:
.L_overlay_start_2:
0x6a: {  	(tag) =	ssettag $0x2  }
0x6b: {  	s0 =	rddreg [dreg:$0x0];
	s2 =	stileid.u32  }
0x6c: {  	s1 =	rddreg [dreg:$0x1];
	p0 =	sne.s32 s2, $0x0  }
0x6d: {  	s3 =	rddreg [dreg:$0x2];
	[bflag:$0x3] =	sbarrier.arrive $0xFFFF;
	s2 =	simm.s32 @!p0 $0x1C03  }
0x6e: {  	[timem:s3], [sflag:s2] =	dma.local @!p0 [hbm:s0], s1  }
0x6f: {  	s0 =	simm.s32 @!p0 $0x3  }
0x70: {  	_ =	swait.ge @!p0 [sflag:s0], s1  }
0x71: {  	s1 =	ssub.s32 @!p0 $0x0, s1;
	[sflag:s0] =	ssyncset.done @!p0 $0x0  }
0x72: {  	[sflag:s0] =	ssyncadd.s32 @!p0 s1  }
0x73: {  	[bflag:$0x3] =	sbarrier.arrive $0xFFFF  }
0x74: {  	_ =	shalt  }

// kernel: kernel.14.cloned.1.call-start
scs
__scs_entry_jumppad:
0x0: {  	(pc) =	sbr.rel $0x88, $3  }
0x1: {  	(tag) =	ssettag $0x0;
	lr =	simm.s32 $0x1  }
0x2: {  	[smem:$0x3F97] =	sst lr;
	_ =	strace $0xD0000000  }
0x3: {  	_ = 	snop  }
0x4: {  	_ = 	snop  }
0x5: {  	_ = 	snop  }
0x6: {  	_ = 	snop  }
0x7: {  	_ = 	snop  }
__scs_overlays_trampoline_lowered:
0x8: {  	[smem:$0x3FA6] =	sst s0  }
0x9: {  	[smem:$0x3FA7] =	sst s1  }
0xa: {  	[smem:$0x3FA8] =	sst s2  }
0xb: {  	[smem:$0x3FA9] =	sst s3  }
0xc: {  	[smem:$0x3FAA] =	sst s4  }
0xd: {  	[smem:$0x3FAB] =	sst s5  }
0xe: {  	[smem:$0x3FAC] =	sst s6  }
0xf: {  	[smem:$0x3FAD] =	sst s7  }
0x10: {  	[smem:$0x3FAE] =	sst s8  }
0x11: {  	[smem:$0x3FAF] =	sst s9;
	s0 =	simm.s32 @!p0 $0x0  }
0x12: {  	s1 =	sld [smem:$0x3F95];
	s0 =	simm.s32 @p0 $0x1  }
0x13: {  	[smem:$0x3FB0] =	sst s0;
	s0 =	simm.s32 @!p1 $0x0  }
0x14: {  	s2 =	sld [smem:$0x3F94];
	s0 =	simm.s32 @p1 $0x1  }
0x15: {  	[smem:$0x3FB1] =	sst s0;
	s0 =	simm.s32 @!p2 $0x0  }
0x16: {  	s3 =	sld [smem:$0x3FDB];
	s0 =	simm.s32 @p2 $0x1  }
0x17: {  	s4 =	simm.s32 $0x1BF5;
	[smem:$0x3FB3] =	sst s0  }
0x18: {  	s0 =	sld [smem:$0x3F96];
	_ =	swait.ge [sflag:s4], $0x0  }
0x19: {  	s7 =	sld [smem:$0x3F97]  }
0x1a: {  	s8 =	sadd.s32 $0xFFFFE003, lr  }
0x1b: {  	s9 =	sadd.s32 $0xFFFFFEF7, lr;
	s5 =	simm.s32 $0xFFFFFFFF;
	p2 =	slt.u32 s8, $0xFFFFF086  }
0x1c: {  	p1 =	slt.u32 s9, $0xF7A;
	s5 =	simm.s32 @!p2 $0x0  }
0x1d: {  	s5 =	simm.s32 @p1 $0x1;
	p0 =	seq.s32 s7, s2  }
0x1e: {  	s7 =	smul.u32 @!p0 $0xF7A, s2;
	p2 =	seq.s32 @!p0 s5, $0x0  }
0x1f: {  	s9 =	smul.u32 $0xF7A, s1;
	s8 =	simm.s32 @!p0 $0x1BF5;
	p2 =	por !p2, p0  }
0x20: {  	[sflag:s8] =	ssyncset.s32 @!p0 $0xFFFFF086;
	s6 =	sadd.s32 @!p0 s3, s7;
	s7 =	simm.s32 @!p0 $0x108  }
0x21: {  	s3 =	sadd.s32 s3, s9;
	s6 =	sadd.s32 @!p0 $0x88, s6;
	s7 =	simm.s32 @p2 $0x1082  }
0x22: {  	[simem:s7], [sflag:s8] =	dma.local @!p0 [hbm:s6], $0xF7A  }
0x23: {  	s9 =	sor.u32 $0xD0000000, s2;
	s6 =	simm.s32 $0x108;
	_ =	swait.ge @!p0 [sflag:s8], $0x0  }
0x24: {  	s3 =	sadd.s32 $0x88, s3;
	s6 =	simm.s32 @!p1 $0x1082;
	[sflag:s4] =	ssyncset.s32 $0xFFFFF086  }
0x25: {  	[simem:s6], [sflag:s4] =	dma.local [hbm:s3], $0xF7A  }
0x26: {  	[smem:$0x3F97] =	sst s1;
	(tag) =	ssettag s2;
	_ =	strace s9  }
0x27: {  	s1 =	sld [smem:$0x3FA7]  }
0x28: {  	s2 =	sld [smem:$0x3FA8]  }
0x29: {  	s4 =	sld [smem:$0x3FAA]  }
0x2a: {  	p0 =	seq.s32 s5, $0x0;
	s5 =	sld [smem:$0x3FAB]  }
0x2b: {  	s6 =	sld [smem:$0x3FAC]  }
0x2c: {  	s7 =	sld [smem:$0x3FAD]  }
0x2d: {  	s3 =	simm.s32 $0x108;
	s8 =	sld [smem:$0x3FAE]  }
0x2e: {  	s3 =	simm.s32 @!p0 $0x1082;
	s9 =	sld [smem:$0x3FAF]  }
0x2f: {  	lr =	sadd.s32 s0, s3;
	s0 =	sld [smem:$0x3FA6]  }
0x30: {  	s3 =	sld [smem:$0x3FA9]  }
0x31: {  	[smem:$0x3FB2] =	sst s10  }
0x32: {  	s10 =	sld [smem:$0x3FB0];
	_ =	sdelay $0x3  }
0x33: {  	p0 =	seq.s32 s10, $0x1;
	s10 =	sld [smem:$0x3FB2];
	_ =	sdelay $0x3  }
0x34: {  	[smem:$0x3FB2] =	sst s10  }
0x35: {  	s10 =	sld [smem:$0x3FB1];
	_ =	sdelay $0x3  }
0x36: {  	p1 =	seq.s32 s10, $0x1;
	s10 =	sld [smem:$0x3FB2];
	_ =	sdelay $0x3  }
0x37: {  	[smem:$0x3FB2] =	sst s10  }
0x38: {  	s10 =	sld [smem:$0x3FB3]  }
0x39: {  	_ = 	snop;
	(pc) =	sbr.ind lr, $3  }
0x3a: {  	_ = 	snop  }
0x3b: {  	_ = 	snop  }
0x3c: {  	p2 =	seq.s32 s10, $0x1;
	s10 =	sld [smem:$0x3FB2]  }
0x3d: {  	_ =	shalt  }
0x3e: {  	_ =	shalt  }
0x3f: {  	_ =	shalt  }
0x40: {  	_ =	shalt  }
0x41: {  	_ =	shalt  }
0x42: {  	_ =	shalt  }
0x43: {  	_ =	shalt  }
0x44: {  	_ =	shalt  }
0x45: {  	_ =	shalt  }
0x46: {  	_ =	shalt  }
0x47: {  	_ =	shalt  }
0x48: {  	_ =	shalt  }
0x49: {  	_ =	shalt  }
0x4a: {  	_ =	shalt  }
0x4b: {  	_ =	shalt  }
0x4c: {  	_ =	shalt  }
0x4d: {  	_ =	shalt  }
0x4e: {  	_ =	shalt  }
0x4f: {  	_ =	shalt  }
0x50: {  	_ =	shalt  }
0x51: {  	_ =	shalt  }
0x52: {  	_ =	shalt  }
0x53: {  	_ =	shalt  }
0x54: {  	_ =	shalt  }
0x55: {  	_ =	shalt  }
0x56: {  	_ =	shalt  }
0x57: {  	_ =	shalt  }
0x58: {  	_ =	shalt  }
0x59: {  	_ =	shalt  }
0x5a: {  	_ =	shalt  }
0x5b: {  	_ =	shalt  }
0x5c: {  	_ =	shalt  }
0x5d: {  	_ =	shalt  }
0x5e: {  	_ =	shalt  }
0x5f: {  	_ =	shalt  }
0x60: {  	_ =	shalt  }
0x61: {  	_ =	shalt  }
0x62: {  	_ =	shalt  }
0x63: {  	_ =	shalt  }
0x64: {  	_ =	shalt  }
0x65: {  	_ =	shalt  }
0x66: {  	_ =	shalt  }
0x67: {  	_ =	shalt  }
0x68: {  	_ =	shalt  }
0x69: {  	_ =	shalt  }
0x6a: {  	_ =	shalt  }
0x6b: {  	_ =	shalt  }
0x6c: {  	_ =	shalt  }
0x6d: {  	_ =	shalt  }
0x6e: {  	_ =	shalt  }
0x6f: {  	_ =	shalt  }
0x70: {  	_ =	shalt  }
0x71: {  	_ =	shalt  }
0x72: {  	_ =	shalt  }
0x73: {  	_ =	shalt  }
0x74: {  	_ =	shalt  }
0x75: {  	_ =	shalt  }
0x76: {  	_ =	shalt  }
0x77: {  	_ =	shalt  }
0x78: {  	_ =	shalt  }
0x79: {  	_ =	shalt  }
0x7a: {  	_ =	shalt  }
0x7b: {  	_ =	shalt  }
0x7c: {  	_ =	shalt  }
0x7d: {  	_ =	shalt  }
0x7e: {  	_ =	shalt  }
0x7f: {  	_ =	shalt  }
0x80: {  	_ =	shalt  }
0x81: {  	_ =	shalt  }
0x82: {  	_ =	shalt  }
0x83: {  	_ =	shalt  }
0x84: {  	_ =	shalt  }
0x85: {  	_ =	shalt  }
0x86: {  	_ =	shalt  }
0x87: {  	_ =	shalt  }
.Lfunc_end0:
.L_simem_size_0:
called_computation.2_lowered:
.L_overlay_start_0:
0x88: {  	s2 =	sld [smem:$0x3FD9]  }
0x89: {  	s3 =	sld [smem:$0x3FFE];
	_ =	sdelay $0x1  }
0x8a: {  	s1 =	srdreg.scid  }
0x8b: {  	s0 =	sand.u32 $0x1, s1  }
0x8c: {  	s14 =	sshll.u32 s0, $0xA;
	s2 =	sadd.s32 s3, s2  }
0x8d: {  	s2 =	sadd.s32 s2, s14  }
0x8e: {  	[smem:$0x3FBE] =	sst s2  }
0x8f: {  	_ = 	snop  }
0x90: {  	s2 =	sld [smem:$0x3FD0];
	_ =	sdelay $0x2  }
0x91: {  	s15 =	simm.s32 $0xA;
	s4 =	simm.s32 $0x10  }
0x92: {  	[smem:s4], [sflag:s15] =	dma.local [hbm:s2], $0x1  }
0x93: {  	_ =	swait.eq [sflag:s15], $0x1  }
0x94: {  	[sflag:s15] =	ssyncset.done $0x0  }
0x95: {  	[sflag:s15] =	ssyncadd.s32 $0xFFFFFFFF  }
0x96: {  	s16 =	sld [smem:$0x11];
	(tm) =	ssettm $0x1  }
0x97: {  	s17 =	sld [smem:$0x3FFB];
	_ =	sdelay $0x3  }
0x98: {  	_ =	strace s17  }
0x99: {  	s3 =	sld [smem:$0x3FFC];
	_ =	sdelay $0x3  }
0x9a: {  	_ =	strace s3  }
0x9b: {  	s3 =	sld [smem:$0x3FFD];
	_ =	sdelay $0x3  }
0x9c: {  	_ =	strace s3  }
0x9d: {  	_ =	strace $0x8FFFFFFF  }
0x9e: {  	s18 =	sld [smem:$0x3FDB];
	_ =	sdelay $0x1  }
0x9f: {  	s19 =	simm.s32 $_scs_section_size  }
0xa0: {  	s5 =	simm.s32 $_size__tile_overlayer_lowered;
	s6 =	simm.s32 $_tile_overlayer_lowered  }
0xa1: {  	s22 =	simm.s32 $0x1BFF;
	s21 =	sshll.u32 s6, $0x1;
	s3 =	sadd.s32 s19, s18  }
0xa2: {  	s7 =	simm.s32 $0x0;
	s20 =	sshll.u32 s5, $0x1;
	s5 =	sadd.s32 s21, s3  }
0xa3: {  	[timem:s7], [sflag:s22] =	dma.local [hbm:s5], s20  }
0xa4: {  	_ =	swait.ge [sflag:s22], s20  }
0xa5: {  	s4 =	ssub.s32 $0x0, s20;
	[sflag:s22] =	ssyncset.done $0x0  }
0xa6: {  	[sflag:s22] =	ssyncadd.s32 s4;
	_ =	sdelay $0x1  }
0xa7: {  	s23 =	simm.s32 $0x1B8B  }
0xa8: {  	_ =	swait.ge [sflag:s23], $0x1  }
0xa9: {  	[sflag:s23] =	ssyncset.done $0x0  }
0xaa: {  	s25 =	simm.s32 $0x1B8E;
	s24 =	sld [smem:$0x3FFE];
	[sflag:s23] =	ssyncadd.s32 $0xFFFFFFFF  }
0xab: {  	s26 =	simm.s32 $execute0_lowered;
	[smem:$0x3FD2] =	sst s25  }
0xac: {  	s5 =	sshll.u32 s26, $0x1;
	_ =	strace $0x8000004C;
	[dreg:$0x1] =	wrdreg $0xFFFFFFFF  }
0xad: {  	s28 =	simm.s32 $_size_execute0_lowered;
	s3 =	sadd.s32 s3, s5;
	[dreg:$0x0] =	wrdreg $0x0  }
0xae: {  	s5 =	sshll.u32 s28, $0x1;
	[dreg:$0x2] =	wrdreg s3  }
0xaf: {  	[dreg:$0x3] =	wrdreg s5  }
0xb0: {  	[dreg:$0x4] =	wrdreg $0xC0  }
0xb1: {  	_ =	task [dreg:s7], $0x5FFFF  }
0xb2: {  	[dreg:$0x1] =	wrdreg $0xFFFFFFFF  }
0xb3: {  	[dreg:$0x0] =	wrdreg $0x60  }
0xb4: {  	[dreg:$0x2] =	wrdreg s24  }
0xb5: {  	[dreg:$0x3] =	wrdreg s16  }
0xb6: {  	[dreg:$0x4] =	wrdreg $0x70000  }
0xb7: {  	[dreg:$0x5] =	wrdreg $0x9  }
0xb8: {  	_ =	task.clear_ibuf [dreg:s7], $0x6FFFF;
	_ =	strace $0x9000004C  }
0xb9: {  	s29 =	simm.s32 $0x9;
	_ =	strace $0x8000004E  }
0xba: {  	_ =	swait.ge [sflag:s29], $0x1  }
0xbb: {  	[sflag:s29] =	ssyncadd.s32 $0xFFFFFFFF  }
0xbc: {  	_ =	strace $0x9000004E  }
0xbd: {  	_ =	sfence  }
0xbe: {  	s30 =	sld [smem:$0x0];
	_ =	sdelay $0x2  }
0xbf: {  	s31 =	sshll.u32 s1, $0xD;
	s1 =	sshrl.u32 s1, $0x2  }
0xc0: {  	s3 =	sand.u32 $0x4000, s31;
	s1 =	sadd.s32 s1, s30  }
0xc1: {  	s0 =	sor.u32 s3, s0;
	s1 =	sshll.u32 s1, $0x11  }
0xc2: {  	s0 =	sor.u32 s1, s0  }
0xc3: {  	s0 =	sadd.s32 $0x8F2B, s0  }
0xc4: {  	[sflag:s0] =	ssyncadd.remote.s32 $0x1  }
0xc5: {  	_ =	sfence.sel $0xFFFF  }
0xc6: {  	[dreg:$0x0] =	wrdreg $0xFFFFFFFF;
	(pc) =	sbr.abs _section_cstart, $3  }
0xc7: {  	[dreg:$0x1] =	wrdreg $0xFFFFFFFF  }
0xc8: {  	_ =	task.clear_ibuf [dreg:s7], $0x2FFFF;
	_ =	strace $0x9FFFFFFF  }
0xc9: {  	(tm) =	ssettm $0x7FFFFFFF  }
tec
execute0_lowered:
.L_overlay_start_1:
0x0: {  	(tag) =	ssettag $0x1  }
0x1: {  	s6 =	rddreg [dreg:$0x0]  }
0x2: {  	s1 =	rddreg [dreg:$0x1]  }
0x3: {  	s3 =	rddreg [dreg:$0x2]  }
0x4: {  	s0 =	rddreg [dreg:$0x3];
	s4 =	simm.s32 $0x0;
	s5 =	srdreg.scid  }
0x5: {  	s2 =	stileid.u32;
	s14 =	simm.s32 $0x80;
	s15 =	simm.s32 $0x5000  }
0x6: {  	s16 =	simm.s32 $0x6000;
	s17 =	simm.s32 $0x1;
	s18 =	simm.s32 $0x2  }
0x7: {  	s19 =	simm.s32 $0x2780;
	s20 =	simm.s32 $0x4F00;
	s21 =	simm.s32 $0x4F80  }
0x8: {  	s22 =	simm.s32 $0x0;
	s7 =	sand.u32 $0x1, s5;
	s31 =	sshll.u32 s2, $0x1  }
0x9: {  	s8 =	smul.u32 $0x5000, s2;
	[smem:$0x7FF] =	sst s4;
	s12 =	sshll.u32 s2, $0x6  }
0xa: {  	s5 =	sor.u32 s7, s31;
	s9 =	smul.u32 $0x50000, s7;
	_ =	strace $0x8000004D  }
0xb: {  	s7 =	ssub.s32 $0x2, s7;
	s12 =	sor.u32 $0x1C03, s12;
	s10 =	smul.u32 $0x500, s5  }
0xc: {  	s5 =	sadd.s32 $0x16200, s6;
	s11 =	sshrl.u32 s7, $0x1;
	s9 =	sadd.s32 s8, s9  }
0xd: {  	s13 =	sadd.s32 s8, s3;
	s11 =	ssub.s32 s7, s11;
	s9 =	sshrl.u32 s9, $0x3  }
0xe: {  	s13 =	sshrl.u32 s13, $0x3;
	s10 =	sadd.s32 s10, s6;
	s9 =	sadd.s32 s9, s6  }
0xf: {  	s6 =	sadd.s32 $0x2200, s10;
	s7 =	sadd.s32 $0xC200, s10;
	s10 =	simm.s32 $0x3  }
0x10: {  	s8 =	sadd.s32 $0x20200, s9;
	s9 =	smax.u32 s11, $0x1;
	s11 =	simm.s32 $0x2800  }
.LBB2_1:
0x11: {  	[tilespmem:s4], [sflag:$0x3] =	stream.linear.gather [hbm4b:s6+s4], $0x2800, $0x38;
	[tilespmem:$0xC000] =	vst v63  }
0x12: {  	_ =	swait.ge [sflag:s10], $0x2800  }
0x13: {  	[sflag:s10] =	ssyncset.done $0x0  }
0x14: {  	[sflag:s10] =	ssyncadd.s32 $0xFFFFD800  }
0x15: {  	[tilespmem:s11], [sflag:$0x3] =	stream.linear.gather [hbm4b:s7+s4], $0x2800, $0x38;
	[tilespmem:$0xC000] =	vst v63  }
0x16: {  	_ =	swait.ge [sflag:s10], $0x2800  }
0x17: {  	[sflag:s10] =	ssyncset.done $0x0  }
0x18: {  	[sflag:s10] =	ssyncadd.s32 $0xFFFFD800  }
0x19: {  	[spmem:s13], [sflag:s12] =	dma.local [hbm:s1], $0xA00  }
0x1a: {  	_ =	swait.ge [sflag:s10], $0xA00  }
0x1b: {  	[sflag:s10] =	ssyncset.done $0x0  }
0x1c: {  	[sflag:s10] =	ssyncadd.s32 $0xFFFFF600  }
0x1d: {  	[bflag:$0x0] =	sbarrier.arrive $0xFFFF  }
0x1e: {  	[tilespmem:s15], [sflag:$0x1] =	stream.indirect.gather [hbm4b:s5+s14], $0x20, s4, s14, $0xb8;
	[tilespmem:$0xC000] =	vst v63  }
0x1f: {  	s23 =	simm.s32 $0x80  }
0x20: {  	[tilespmem:s16], [sflag:$0x2] =	stream.indirect.gather [hbm4b:s5+s14], $0x20, s23, s14, $0xb8;
	[tilespmem:$0xC000] =	vst v63  }
0x21: {  	_ =	swait.ge [sflag:s17], $0x1000  }
0x22: {  	[sflag:s17] =	ssyncset.done $0x0  }
0x23: {  	s29 =	simm.s32 $0x2800;
	[sflag:s17] =	ssyncadd.s32 $0xFFFFF000  }
0x24: {  	[spmem:s3] =	stream.indirect.scatter.add.f32 [tilespmem:s15], [sflag:$0x3], $0x20, s29, s14, $0xb8;
	[tilespmem:$0xC000] =	vst v63  }
0x25: {  	_ =	swait.ge [sflag:s10], $0x1000  }
0x26: {  	[sflag:s10] =	ssyncset.done $0x0  }
0x27: {  	s30 =	simm.s32 $0x100;
	[sflag:s10] =	ssyncadd.s32 $0xFFFFF000  }
0x28: {  	[tilespmem:s15], [sflag:$0x1] =	stream.indirect.gather [hbm4b:s5+s14], $0x20, s30, s14, $0xb8;
	[tilespmem:$0xC000] =	vst v63  }
0x29: {  	_ =	swait.ge [sflag:s18], $0x1000  }
0x2a: {  	[sflag:s18] =	ssyncset.done $0x0  }
0x2b: {  	s31 =	simm.s32 $0x2880;
	[sflag:s18] =	ssyncadd.s32 $0xFFFFF000  }
0x2c: {  	[spmem:s3] =	stream.indirect.scatter.add.f32 [tilespmem:s16], [sflag:$0x3], $0x20, s31, s14, $0xb8;
	[tilespmem:$0xC000] =	vst v63  }
0x2d: {  	_ =	swait.ge [sflag:s10], $0x1000  }
0x2e: {  	s24 =	simm.s32 $0x800;
	s23 =	simm.s32 $0x100;
	[sflag:s10] =	ssyncset.done $0x0  }
.LBB2_2:
0x2f: {  	s25 =	sadd.s32 $0x80, s23  }
0x30: {  	[sflag:s10] =	ssyncadd.s32 $0xFFFFF000;
	s26 =	smov.u32 s24;
	s28 =	sadd.s32 $0x400, s24  }
0x31: {  	[tilespmem:s16], [sflag:$0x2] =	stream.indirect.gather [hbm4b:s5+s14], $0x20, s25, s14, $0xb8;
	[tilespmem:$0xC000] =	vst v63  }
0x32: {  	p0 =	sne.s32 s24, $0x9800;
	_ =	swait.ge [sflag:s17], $0x1000  }
0x33: {  	[sflag:s17] =	ssyncset.done $0x0  }
0x34: {  	s24 =	sadd.s32 $0x2800, s23;
	[sflag:s17] =	ssyncadd.s32 $0xFFFFF000  }
0x35: {  	[spmem:s3] =	stream.indirect.scatter.add.f32 [tilespmem:s15], [sflag:$0x3], $0x20, s24, s14, $0xb8;
	[tilespmem:$0xC000] =	vst v63  }
0x36: {  	_ =	swait.ge [sflag:s10], $0x1000  }
0x37: {  	[sflag:s10] =	ssyncset.done $0x0  }
0x38: {  	s24 =	sadd.s32 $0x100, s23;
	[sflag:s10] =	ssyncadd.s32 $0xFFFFF000  }
0x39: {  	[tilespmem:s15], [sflag:$0x1] =	stream.indirect.gather [hbm4b:s5+s14], $0x20, s24, s14, $0xb8;
	[tilespmem:$0xC000] =	vst v63  }
0x3a: {  	_ =	swait.ge [sflag:s18], $0x1000  }
.Ltmp0:
0x3b: {  	[sflag:s18] =	ssyncset.done $0x0;
	(pc) =	sbr.rel @p0 .LBB2_2-.Ltmp0, $4  }
0x3c: {  	s23 =	sadd.s32 $0x2880, s23;
	[sflag:s18] =	ssyncadd.s32 $0xFFFFF000  }
0x3d: {  	[spmem:s3] =	stream.indirect.scatter.add.f32 [tilespmem:s16], [sflag:$0x3], $0x20, s23, s14, $0xb8;
	[tilespmem:$0xC000] =	vst v63  }
0x3e: {  	_ =	swait.ge [sflag:s10], $0x1000  }
0x3f: {  	s24 =	smov.u32 s28;
	s23 =	sshra.s32 s26, $0x2;
	[sflag:s10] =	ssyncset.done $0x0  }
0x40: {  	s24 =	sadd.s32 $0x80, s23;
	[sflag:s10] =	ssyncadd.s32 $0xFFFFF000  }
0x41: {  	[tilespmem:s16], [sflag:$0x2] =	stream.indirect.gather [hbm4b:s5+s14], $0x20, s24, s14, $0xb8;
	[tilespmem:$0xC000] =	vst v63  }
0x42: {  	_ =	swait.ge [sflag:s17], $0x1000  }
0x43: {  	[sflag:s17] =	ssyncset.done $0x0  }
0x44: {  	s29 =	sadd.s32 $0x2800, s23;
	[sflag:s17] =	ssyncadd.s32 $0xFFFFF000  }
0x45: {  	[spmem:s3] =	stream.indirect.scatter.add.f32 [tilespmem:s15], [sflag:$0x3], $0x20, s29, s14, $0xb8;
	[tilespmem:$0xC000] =	vst v63  }
0x46: {  	_ =	swait.ge [sflag:s10], $0x1000  }
0x47: {  	[sflag:s10] =	ssyncset.done $0x0  }
0x48: {  	s30 =	sadd.s32 $0x100, s23;
	[sflag:s10] =	ssyncadd.s32 $0xFFFFF000  }
0x49: {  	[tilespmem:s15], [sflag:$0x1] =	stream.indirect.gather [hbm4b:s5+s14], $0x20, s30, s14, $0xb8;
	[tilespmem:$0xC000] =	vst v63  }
0x4a: {  	_ =	swait.ge [sflag:s18], $0x1000  }
0x4b: {  	[sflag:s18] =	ssyncset.done $0x0  }
0x4c: {  	s31 =	sadd.s32 $0x2880, s23;
	[sflag:s18] =	ssyncadd.s32 $0xFFFFF000  }
0x4d: {  	[spmem:s3] =	stream.indirect.scatter.add.f32 [tilespmem:s16], [sflag:$0x3], $0x20, s31, s14, $0xb8;
	[tilespmem:$0xC000] =	vst v63  }
0x4e: {  	_ =	swait.ge [sflag:s10], $0x1000  }
0x4f: {  	[sflag:s10] =	ssyncset.done $0x0  }
0x50: {  	[sflag:s10] =	ssyncadd.s32 $0xFFFFF000  }
0x51: {  	[tilespmem:s16], [sflag:$0x2] =	stream.indirect.gather [hbm4b:s5+s14], $0x20, s19, s14, $0xb8;
	[tilespmem:$0xC000] =	vst v63  }
0x52: {  	_ =	swait.ge [sflag:s17], $0x1000  }
0x53: {  	[sflag:s17] =	ssyncset.done $0x0  }
0x54: {  	[sflag:s17] =	ssyncadd.s32 $0xFFFFF000  }
0x55: {  	[spmem:s3] =	stream.indirect.scatter.add.f32 [tilespmem:s15], [sflag:$0x3], $0x20, s20, s14, $0xb8;
	[tilespmem:$0xC000] =	vst v63  }
0x56: {  	_ =	swait.ge [sflag:s10], $0x1000  }
0x57: {  	[sflag:s10] =	ssyncset.done $0x0  }
0x58: {  	[sflag:s10] =	ssyncadd.s32 $0xFFFFF000  }
0x59: {  	_ =	swait.ge [sflag:s18], $0x1000  }
0x5a: {  	[sflag:s18] =	ssyncset.done $0x0  }
0x5b: {  	[sflag:s18] =	ssyncadd.s32 $0xFFFFF000  }
0x5c: {  	[spmem:s3] =	stream.indirect.scatter.add.f32 [tilespmem:s16], [sflag:$0x3], $0x20, s21, s14, $0xb8;
	[tilespmem:$0xC000] =	vst v63  }
0x5d: {  	_ =	swait.ge [sflag:s10], $0x1000  }
0x5e: {  	s22 =	sadd.s32 $0x1, s22;
	[sflag:s10] =	ssyncset.done $0x0  }
0x5f: {  	p0 =	sne.s32 s22, s9;
	[sflag:s10] =	ssyncadd.s32 $0xFFFFF000  }
.Ltmp1:
0x60: {  	[bflag:$0x0] =	sbarrier.arrive $0xFFFF;
	(pc) =	sbr.rel @p0 .LBB2_1-.Ltmp1, $4  }
0x61: {  	[hbm:s8], [sflag:s12] =	dma.local [spmem:s13], $0xA00  }
0x62: {  	_ =	swait.ge [sflag:s10], $0xA00  }
0x63: {  	[sflag:s10] =	ssyncset.done $0x0  }
0x64: {  	[sflag:s10] =	ssyncadd.s32 $0xFFFFF600  }
0x65: {  	_ =	sfence.sel $0x180000  }
0x66: {  	[bflag:$0x0] =	sbarrier.arrive $0xFFFF  }
0x67: {  	p0 =	sne.s32 s2, $0x0;
	_ =	strace $0x9000004D  }
0x68: {  	s0 =	sadd.s32 @!p0 $0x100000, s0;
	[bflag:$0x2] =	sbarrier.arrive $0xFFFF  }
0x69: {  	[sflag:s0] =	ssyncadd.tile.s32 @!p0 $0x1;
	_ =	shalt  }
.Lfunc_end2:
_tile_overlayer_lowered:
.L_overlay_start_2:
0x6a: {  	(tag) =	ssettag $0x2  }
0x6b: {  	s0 =	rddreg [dreg:$0x0];
	s2 =	stileid.u32  }
0x6c: {  	s1 =	rddreg [dreg:$0x1];
	p0 =	sne.s32 s2, $0x0  }
0x6d: {  	s3 =	rddreg [dreg:$0x2];
	[bflag:$0x3] =	sbarrier.arrive $0xFFFF;
	s2 =	simm.s32 @!p0 $0x1C03  }
0x6e: {  	[timem:s3], [sflag:s2] =	dma.local @!p0 [hbm:s0], s1  }
0x6f: {  	s0 =	simm.s32 @!p0 $0x3  }
0x70: {  	_ =	swait.ge @!p0 [sflag:s0], s1  }
0x71: {  	s1 =	ssub.s32 @!p0 $0x0, s1;
	[sflag:s0] =	ssyncset.done @!p0 $0x0  }
0x72: {  	[sflag:s0] =	ssyncadd.s32 @!p0 s1  }
0x73: {  	[bflag:$0x3] =	sbarrier.arrive $0xFFFF  }
0x74: {  	_ =	shalt  }

// kernel: kernel.8.cloned.1.call-start
scs
__scs_entry_jumppad:
0x0: {  	(pc) =	sbr.rel $0x88, $3  }
0x1: {  	(tag) =	ssettag $0x0;
	lr =	simm.s32 $0x1  }
0x2: {  	[smem:$0x3F97] =	sst lr;
	_ =	strace $0xD0000000  }
0x3: {  	_ = 	snop  }
0x4: {  	_ = 	snop  }
0x5: {  	_ = 	snop  }
0x6: {  	_ = 	snop  }
0x7: {  	_ = 	snop  }
__scs_overlays_trampoline_lowered:
0x8: {  	[smem:$0x3FA6] =	sst s0  }
0x9: {  	[smem:$0x3FA7] =	sst s1  }
0xa: {  	[smem:$0x3FA8] =	sst s2  }
0xb: {  	[smem:$0x3FA9] =	sst s3  }
0xc: {  	[smem:$0x3FAA] =	sst s4  }
0xd: {  	[smem:$0x3FAB] =	sst s5  }
0xe: {  	[smem:$0x3FAC] =	sst s6  }
0xf: {  	[smem:$0x3FAD] =	sst s7  }
0x10: {  	[smem:$0x3FAE] =	sst s8  }
0x11: {  	[smem:$0x3FAF] =	sst s9;
	s0 =	simm.s32 @!p0 $0x0  }
0x12: {  	s1 =	sld [smem:$0x3F95];
	s0 =	simm.s32 @p0 $0x1  }
0x13: {  	[smem:$0x3FB0] =	sst s0;
	s0 =	simm.s32 @!p1 $0x0  }
0x14: {  	s2 =	sld [smem:$0x3F94];
	s0 =	simm.s32 @p1 $0x1  }
0x15: {  	[smem:$0x3FB1] =	sst s0;
	s0 =	simm.s32 @!p2 $0x0  }
0x16: {  	s3 =	sld [smem:$0x3FDB];
	s0 =	simm.s32 @p2 $0x1  }
0x17: {  	s4 =	simm.s32 $0x1BF5;
	[smem:$0x3FB3] =	sst s0  }
0x18: {  	s0 =	sld [smem:$0x3F96];
	_ =	swait.ge [sflag:s4], $0x0  }
0x19: {  	s7 =	sld [smem:$0x3F97]  }
0x1a: {  	s8 =	sadd.s32 $0xFFFFE003, lr  }
0x1b: {  	s9 =	sadd.s32 $0xFFFFFEF7, lr;
	s5 =	simm.s32 $0xFFFFFFFF;
	p2 =	slt.u32 s8, $0xFFFFF086  }
0x1c: {  	p1 =	slt.u32 s9, $0xF7A;
	s5 =	simm.s32 @!p2 $0x0  }
0x1d: {  	s5 =	simm.s32 @p1 $0x1;
	p0 =	seq.s32 s7, s2  }
0x1e: {  	s7 =	smul.u32 @!p0 $0xF7A, s2;
	p2 =	seq.s32 @!p0 s5, $0x0  }
0x1f: {  	s9 =	smul.u32 $0xF7A, s1;
	s8 =	simm.s32 @!p0 $0x1BF5;
	p2 =	por !p2, p0  }
0x20: {  	[sflag:s8] =	ssyncset.s32 @!p0 $0xFFFFF086;
	s6 =	sadd.s32 @!p0 s3, s7;
	s7 =	simm.s32 @!p0 $0x108  }
0x21: {  	s3 =	sadd.s32 s3, s9;
	s6 =	sadd.s32 @!p0 $0x88, s6;
	s7 =	simm.s32 @p2 $0x1082  }
0x22: {  	[simem:s7], [sflag:s8] =	dma.local @!p0 [hbm:s6], $0xF7A  }
0x23: {  	s9 =	sor.u32 $0xD0000000, s2;
	s6 =	simm.s32 $0x108;
	_ =	swait.ge @!p0 [sflag:s8], $0x0  }
0x24: {  	s3 =	sadd.s32 $0x88, s3;
	s6 =	simm.s32 @!p1 $0x1082;
	[sflag:s4] =	ssyncset.s32 $0xFFFFF086  }
0x25: {  	[simem:s6], [sflag:s4] =	dma.local [hbm:s3], $0xF7A  }
0x26: {  	[smem:$0x3F97] =	sst s1;
	(tag) =	ssettag s2;
	_ =	strace s9  }
0x27: {  	s1 =	sld [smem:$0x3FA7]  }
0x28: {  	s2 =	sld [smem:$0x3FA8]  }
0x29: {  	s4 =	sld [smem:$0x3FAA]  }
0x2a: {  	p0 =	seq.s32 s5, $0x0;
	s5 =	sld [smem:$0x3FAB]  }
0x2b: {  	s6 =	sld [smem:$0x3FAC]  }
0x2c: {  	s7 =	sld [smem:$0x3FAD]  }
0x2d: {  	s3 =	simm.s32 $0x108;
	s8 =	sld [smem:$0x3FAE]  }
0x2e: {  	s3 =	simm.s32 @!p0 $0x1082;
	s9 =	sld [smem:$0x3FAF]  }
0x2f: {  	lr =	sadd.s32 s0, s3;
	s0 =	sld [smem:$0x3FA6]  }
0x30: {  	s3 =	sld [smem:$0x3FA9]  }
0x31: {  	[smem:$0x3FB2] =	sst s10  }
0x32: {  	s10 =	sld [smem:$0x3FB0];
	_ =	sdelay $0x3  }
0x33: {  	p0 =	seq.s32 s10, $0x1;
	s10 =	sld [smem:$0x3FB2];
	_ =	sdelay $0x3  }
0x34: {  	[smem:$0x3FB2] =	sst s10  }
0x35: {  	s10 =	sld [smem:$0x3FB1];
	_ =	sdelay $0x3  }
0x36: {  	p1 =	seq.s32 s10, $0x1;
	s10 =	sld [smem:$0x3FB2];
	_ =	sdelay $0x3  }
0x37: {  	[smem:$0x3FB2] =	sst s10  }
0x38: {  	s10 =	sld [smem:$0x3FB3]  }
0x39: {  	_ = 	snop;
	(pc) =	sbr.ind lr, $3  }
0x3a: {  	_ = 	snop  }
0x3b: {  	_ = 	snop  }
0x3c: {  	p2 =	seq.s32 s10, $0x1;
	s10 =	sld [smem:$0x3FB2]  }
0x3d: {  	_ =	shalt  }
0x3e: {  	_ =	shalt  }
0x3f: {  	_ =	shalt  }
0x40: {  	_ =	shalt  }
0x41: {  	_ =	shalt  }
0x42: {  	_ =	shalt  }
0x43: {  	_ =	shalt  }
0x44: {  	_ =	shalt  }
0x45: {  	_ =	shalt  }
0x46: {  	_ =	shalt  }
0x47: {  	_ =	shalt  }
0x48: {  	_ =	shalt  }
0x49: {  	_ =	shalt  }
0x4a: {  	_ =	shalt  }
0x4b: {  	_ =	shalt  }
0x4c: {  	_ =	shalt  }
0x4d: {  	_ =	shalt  }
0x4e: {  	_ =	shalt  }
0x4f: {  	_ =	shalt  }
0x50: {  	_ =	shalt  }
0x51: {  	_ =	shalt  }
0x52: {  	_ =	shalt  }
0x53: {  	_ =	shalt  }
0x54: {  	_ =	shalt  }
0x55: {  	_ =	shalt  }
0x56: {  	_ =	shalt  }
0x57: {  	_ =	shalt  }
0x58: {  	_ =	shalt  }
0x59: {  	_ =	shalt  }
0x5a: {  	_ =	shalt  }
0x5b: {  	_ =	shalt  }
0x5c: {  	_ =	shalt  }
0x5d: {  	_ =	shalt  }
0x5e: {  	_ =	shalt  }
0x5f: {  	_ =	shalt  }
0x60: {  	_ =	shalt  }
0x61: {  	_ =	shalt  }
0x62: {  	_ =	shalt  }
0x63: {  	_ =	shalt  }
0x64: {  	_ =	shalt  }
0x65: {  	_ =	shalt  }
0x66: {  	_ =	shalt  }
0x67: {  	_ =	shalt  }
0x68: {  	_ =	shalt  }
0x69: {  	_ =	shalt  }
0x6a: {  	_ =	shalt  }
0x6b: {  	_ =	shalt  }
0x6c: {  	_ =	shalt  }
0x6d: {  	_ =	shalt  }
0x6e: {  	_ =	shalt  }
0x6f: {  	_ =	shalt  }
0x70: {  	_ =	shalt  }
0x71: {  	_ =	shalt  }
0x72: {  	_ =	shalt  }
0x73: {  	_ =	shalt  }
0x74: {  	_ =	shalt  }
0x75: {  	_ =	shalt  }
0x76: {  	_ =	shalt  }
0x77: {  	_ =	shalt  }
0x78: {  	_ =	shalt  }
0x79: {  	_ =	shalt  }
0x7a: {  	_ =	shalt  }
0x7b: {  	_ =	shalt  }
0x7c: {  	_ =	shalt  }
0x7d: {  	_ =	shalt  }
0x7e: {  	_ =	shalt  }
0x7f: {  	_ =	shalt  }
0x80: {  	_ =	shalt  }
0x81: {  	_ =	shalt  }
0x82: {  	_ =	shalt  }
0x83: {  	_ =	shalt  }
0x84: {  	_ =	shalt  }
0x85: {  	_ =	shalt  }
0x86: {  	_ =	shalt  }
0x87: {  	_ =	shalt  }
.Lfunc_end0:
.L_simem_size_0:
called_computation_lowered:
.L_overlay_start_0:
0x88: {  	s2 =	sld [smem:$0x3FD9]  }
0x89: {  	s3 =	sld [smem:$0x3FFE];
	_ =	sdelay $0x1  }
0x8a: {  	s1 =	srdreg.scid  }
0x8b: {  	s0 =	sand.u32 $0x1, s1  }
0x8c: {  	s14 =	sshll.u32 s0, $0xA;
	s2 =	sadd.s32 s3, s2  }
0x8d: {  	s2 =	sadd.s32 s2, s14  }
0x8e: {  	[smem:$0x3FBE] =	sst s2  }
0x8f: {  	_ = 	snop  }
0x90: {  	s2 =	sld [smem:$0x3FD0];
	_ =	sdelay $0x2  }
0x91: {  	s15 =	simm.s32 $0xA;
	s4 =	simm.s32 $0x10  }
0x92: {  	[smem:s4], [sflag:s15] =	dma.local [hbm:s2], $0x1  }
0x93: {  	_ =	swait.eq [sflag:s15], $0x1  }
0x94: {  	[sflag:s15] =	ssyncset.done $0x0  }
0x95: {  	s16 =	sld [smem:$0x10];
	[sflag:s15] =	ssyncadd.s32 $0xFFFFFFFF  }
0x96: {  	s17 =	sld [smem:$0x11];
	(tm) =	ssettm $0x1  }
0x97: {  	s18 =	sld [smem:$0x3FFB];
	_ =	sdelay $0x3  }
0x98: {  	_ =	strace s18  }
0x99: {  	s4 =	sld [smem:$0x3FFC];
	_ =	sdelay $0x3  }
0x9a: {  	_ =	strace s4  }
0x9b: {  	s4 =	sld [smem:$0x3FFD];
	_ =	sdelay $0x3  }
0x9c: {  	_ =	strace s4  }
0x9d: {  	_ =	strace $0x8FFFFFFF  }
0x9e: {  	s19 =	sld [smem:$0x3FDB];
	_ =	sdelay $0x1  }
0x9f: {  	s5 =	simm.s32 $_scs_section_size  }
0xa0: {  	s6 =	simm.s32 $_size__tile_overlayer_lowered;
	s7 =	simm.s32 $_tile_overlayer_lowered  }
0xa1: {  	s22 =	simm.s32 $0x1BFF;
	s21 =	sshll.u32 s7, $0x1;
	s4 =	sadd.s32 s5, s19  }
0xa2: {  	s8 =	simm.s32 $0x0;
	s20 =	sshll.u32 s6, $0x1;
	s6 =	sadd.s32 s21, s4  }
0xa3: {  	[timem:s8], [sflag:s22] =	dma.local [hbm:s6], s20  }
0xa4: {  	_ =	swait.ge [sflag:s22], s20  }
0xa5: {  	s5 =	ssub.s32 $0x0, s20;
	[sflag:s22] =	ssyncset.done $0x0  }
0xa6: {  	[sflag:s22] =	ssyncadd.s32 s5;
	_ =	sdelay $0x1  }
0xa7: {  	s23 =	simm.s32 $0x1B8B  }
0xa8: {  	_ =	swait.ge [sflag:s23], $0x1  }
0xa9: {  	[sflag:s23] =	ssyncset.done $0x0  }
0xaa: {  	s25 =	simm.s32 $0x1B8E;
	s24 =	sld [smem:$0x3FFE];
	[sflag:s23] =	ssyncadd.s32 $0xFFFFFFFF  }
0xab: {  	s26 =	simm.s32 $execute0_lowered;
	[smem:$0x3FD2] =	sst s25  }
0xac: {  	s6 =	sshll.u32 s26, $0x1;
	_ =	strace $0x80000046;
	[dreg:$0x1] =	wrdreg $0xFFFFFFFF  }
0xad: {  	s28 =	simm.s32 $_size_execute0_lowered;
	s4 =	sadd.s32 s4, s6;
	[dreg:$0x0] =	wrdreg $0x0  }
0xae: {  	s6 =	sshll.u32 s28, $0x1;
	[dreg:$0x2] =	wrdreg s4  }
0xaf: {  	[dreg:$0x3] =	wrdreg s6  }
0xb0: {  	[dreg:$0x4] =	wrdreg $0xC0  }
0xb1: {  	_ =	task [dreg:s8], $0x5FFFF  }
0xb2: {  	[dreg:$0x1] =	wrdreg $0xFFFFFFFF  }
0xb3: {  	[dreg:$0x0] =	wrdreg $0x60  }
0xb4: {  	[dreg:$0x2] =	wrdreg s24  }
0xb5: {  	[dreg:$0x3] =	wrdreg s16  }
0xb6: {  	[dreg:$0x4] =	wrdreg s17  }
0xb7: {  	[dreg:$0x5] =	wrdreg $0x2C000  }
0xb8: {  	[dreg:$0x6] =	wrdreg $0x9  }
0xb9: {  	_ =	task.clear_ibuf [dreg:s8], $0x7FFFF;
	_ =	strace $0x90000046  }
0xba: {  	s29 =	simm.s32 $0x9;
	_ =	strace $0x80000048  }
0xbb: {  	_ =	swait.ge [sflag:s29], $0x1  }
0xbc: {  	[sflag:s29] =	ssyncadd.s32 $0xFFFFFFFF  }
0xbd: {  	_ =	strace $0x90000048  }
0xbe: {  	_ =	sfence  }
0xbf: {  	s30 =	sld [smem:$0x0];
	_ =	sdelay $0x2  }
0xc0: {  	s31 =	sshll.u32 s1, $0xD;
	s1 =	sshrl.u32 s1, $0x2  }
0xc1: {  	s3 =	sand.u32 $0x4000, s31;
	s1 =	sadd.s32 s1, s30  }
0xc2: {  	s0 =	sor.u32 s3, s0;
	s1 =	sshll.u32 s1, $0x11  }
0xc3: {  	s0 =	sor.u32 s1, s0  }
0xc4: {  	s0 =	sadd.s32 $0x8F2B, s0  }
0xc5: {  	[sflag:s0] =	ssyncadd.remote.s32 $0x1  }
0xc6: {  	_ =	sfence.sel $0xFFFF  }
0xc7: {  	[dreg:$0x0] =	wrdreg $0xFFFFFFFF;
	(pc) =	sbr.abs _section_cstart, $3  }
0xc8: {  	[dreg:$0x1] =	wrdreg $0xFFFFFFFF  }
0xc9: {  	_ =	task.clear_ibuf [dreg:s8], $0x2FFFF;
	_ =	strace $0x9FFFFFFF  }
0xca: {  	(tm) =	ssettm $0x7FFFFFFF  }
0xcb: {  	_ =	shalt  }
tec
execute0_lowered:
.L_overlay_start_1:
0x0: {  	(tag) =	ssettag $0x1  }
0x1: {  	s5 =	rddreg [dreg:$0x0]  }
0x2: {  	s1 =	rddreg [dreg:$0x1]  }
0x3: {  	s2 =	srdreg.scid;
	s7 =	rddreg [dreg:$0x2]  }
0x4: {  	s0 =	stileid.u32;
	s3 =	rddreg [dreg:$0x3]  }
0x5: {  	s4 =	simm.s32 $0x0;
	s13 =	simm.s32 $0x80;
	s14 =	simm.s32 $0x1  }
0x6: {  	s15 =	simm.s32 $0x2;
	s16 =	simm.s32 $0x0;
	s6 =	sand.u32 $0x1, s2  }
0x7: {  	s29 =	sshll.u32 s0, $0x1;
	s9 =	smul.u32 $0x1400, s0;
	[smem:$0x7FF] =	sst s4  }
0x8: {  	s31 =	sshll.u32 s0, $0x6;
	s2 =	sor.u32 s6, s29;
	s10 =	smul.u32 $0x14000, s6  }
0x9: {  	s6 =	ssub.s32 $0x2, s6;
	s8 =	smul.u32 $0x500, s2;
	s2 =	rddreg [dreg:$0x4]  }
0xa: {  	_ =	strace $0x80000047;
	s11 =	sshrl.u32 s6, $0x1;
	s12 =	sadd.s32 s9, s3  }
0xb: {  	s10 =	sadd.s32 s9, s10;
	s11 =	ssub.s32 s6, s11;
	s9 =	simm.s32 $0x3  }
0xc: {  	s12 =	sshrl.u32 s12, $0x3;
	s8 =	sadd.s32 s8, s5;
	s5 =	sadd.s32 $0x16200, s5  }
0xd: {  	s30 =	sshrl.u32 s10, $0x3;
	s10 =	simm.s32 $0x2800;
	s6 =	sadd.s32 $0xC200, s8  }
0xe: {  	s7 =	sadd.s32 s7, s30;
	s8 =	smax.u32 s11, $0x1;
	s11 =	sor.u32 $0x1C03, s31  }
.LBB2_1:
0xf: {  	[tilespmem:s4], [sflag:$0x3] =	stream.linear.gather [hbm4b:s6+s4], $0x2800, $0x38;
	[tilespmem:$0x4000] =	vst v63  }
0x10: {  	_ =	swait.ge [sflag:s9], $0x2800  }
0x11: {  	[sflag:s9] =	ssyncset.done $0x0  }
0x12: {  	[sflag:s9] =	ssyncadd.s32 $0xFFFFD800  }
0x13: {  	[tilespmem:s10], [sflag:$0x3] =	stream.linear.gather [hbm4b:s5+s4], $0x400, $0x38;
	[tilespmem:$0x4000] =	vst v63  }
0x14: {  	_ =	swait.ge [sflag:s9], $0x400  }
0x15: {  	[sflag:s9] =	ssyncset.done $0x0  }
0x16: {  	[sflag:s9] =	ssyncadd.s32 $0xFFFFFC00  }
0x17: {  	[spmem:s12], [sflag:s11] =	dma.local [hbm:s1], $0x280  }
0x18: {  	_ =	swait.ge [sflag:s9], $0x280  }
0x19: {  	[sflag:s9] =	ssyncset.done $0x0  }
0x1a: {  	[sflag:s9] =	ssyncadd.s32 $0xFFFFFD80  }
0x1b: {  	[bflag:$0x0] =	sbarrier.arrive $0xFFFF  }
0x1c: {  	[spmem:s3] =	stream.indirect.scatter.add.f32 [tilespmem:s10], [sflag:$0x1], $0x8, s4, s13, $0xb8;
	[tilespmem:$0x4000] =	vst v63  }
0x1d: {  	_ = 	snop  }
0x1e: {  	[spmem:s3] =	stream.indirect.scatter.add.f32 [tilespmem:s10], [sflag:$0x2], $0x8, s13, s13, $0xb8;
	[tilespmem:$0x4000] =	vst v63  }
0x1f: {  	_ =	swait.ge [sflag:s14], $0x400  }
0x20: {  	[sflag:s14] =	ssyncset.done $0x0  }
0x21: {  	s17 =	simm.s32 $0x100;
	[sflag:s14] =	ssyncadd.s32 $0xFFFFFC00  }
0x22: {  	[spmem:s3] =	stream.indirect.scatter.add.f32 [tilespmem:s10], [sflag:$0x1], $0x8, s17, s13, $0xb8;
	[tilespmem:$0x4000] =	vst v63  }
0x23: {  	_ =	swait.ge [sflag:s15], $0x400  }
0x24: {  	[sflag:s15] =	ssyncset.done $0x0  }
0x25: {  	s18 =	simm.s32 $0x180;
	s17 =	simm.s32 $0xFFFF6800;
	[sflag:s15] =	ssyncadd.s32 $0xFFFFFC00  }
.LBB2_2:
0x26: {  	[spmem:s3] =	stream.indirect.scatter.add.f32 [tilespmem:s10], [sflag:$0x2], $0x8, s18, s13, $0xb8;
	[tilespmem:$0x4000] =	vst v63  }
0x27: {  	s18 =	smov.u32 s17  }
0x28: {  	p0 =	sne.s32 s17, $0xFFFFFC00;
	s17 =	sadd.s32 $0x400, s17;
	_ =	swait.ge [sflag:s14], $0x400  }
0x29: {  	s18 =	sshra.s32 s18, $0x2;
	[sflag:s14] =	ssyncset.done $0x0  }
.Ltmp0:
0x2a: {  	s19 =	sadd.s32 $0x2800, s18;
	[sflag:s14] =	ssyncadd.s32 $0xFFFFFC00;
	(pc) =	sbr.rel @p0 .LBB2_2-.Ltmp0, $4  }
0x2b: {  	[spmem:s3] =	stream.indirect.scatter.add.f32 [tilespmem:s10], [sflag:$0x1], $0x8, s19, s13, $0xb8;
	[tilespmem:$0x4000] =	vst v63  }
0x2c: {  	_ =	swait.ge [sflag:s15], $0x400  }
0x2d: {  	[sflag:s15] =	ssyncset.done $0x0  }
0x2e: {  	s18 =	sadd.s32 $0x2880, s18;
	[sflag:s15] =	ssyncadd.s32 $0xFFFFFC00  }
0x2f: {  	[spmem:s3] =	stream.indirect.scatter.add.f32 [tilespmem:s10], [sflag:$0x2], $0x8, s18, s13, $0xb8;
	[tilespmem:$0x4000] =	vst v63  }
0x30: {  	_ =	swait.ge [sflag:s14], $0x400  }
0x31: {  	[sflag:s14] =	ssyncset.done $0x0  }
0x32: {  	[sflag:s14] =	ssyncadd.s32 $0xFFFFFC00  }
0x33: {  	_ =	swait.ge [sflag:s15], $0x400  }
0x34: {  	s16 =	sadd.s32 $0x1, s16;
	[sflag:s15] =	ssyncset.done $0x0  }
0x35: {  	p0 =	sne.s32 s16, s8;
	[sflag:s15] =	ssyncadd.s32 $0xFFFFFC00  }
.Ltmp1:
0x36: {  	[bflag:$0x0] =	sbarrier.arrive $0xFFFF;
	(pc) =	sbr.rel @p0 .LBB2_1-.Ltmp1, $4  }
0x37: {  	[hbm:s7], [sflag:s11] =	dma.local [spmem:s12], $0x280  }
0x38: {  	_ =	swait.ge [sflag:s9], $0x280  }
0x39: {  	[sflag:s9] =	ssyncset.done $0x0  }
0x3a: {  	[sflag:s9] =	ssyncadd.s32 $0xFFFFFD80  }
0x3b: {  	_ =	sfence.sel $0x180000  }
0x3c: {  	[bflag:$0x0] =	sbarrier.arrive $0xFFFF  }
0x3d: {  	p0 =	sne.s32 s0, $0x0;
	_ =	strace $0x90000047  }
0x3e: {  	s0 =	sadd.s32 @!p0 $0x100000, s2;
	[bflag:$0x2] =	sbarrier.arrive $0xFFFF  }
0x3f: {  	[sflag:s0] =	ssyncadd.tile.s32 @!p0 $0x1;
	_ =	shalt  }
.Lfunc_end2:
_tile_overlayer_lowered:
.L_overlay_start_2:
0x40: {  	(tag) =	ssettag $0x2  }
0x41: {  	s0 =	rddreg [dreg:$0x0];
	s2 =	stileid.u32  }
0x42: {  	s1 =	rddreg [dreg:$0x1];
	p0 =	sne.s32 s2, $0x0  }
0x43: {  	s3 =	rddreg [dreg:$0x2];
	[bflag:$0x3] =	sbarrier.arrive $0xFFFF;
	s2 =	simm.s32 @!p0 $0x1C03  }
0x44: {  	[timem:s3], [sflag:s2] =	dma.local @!p0 [hbm:s0], s1  }
0x45: {  	s0 =	simm.s32 @!p0 $0x3  }
0x46: {  	_ =	swait.ge @!p0 [sflag:s0], s1  }
0x47: {  	s1 =	ssub.s32 @!p0 $0x0, s1;
	[sflag:s0] =	ssyncset.done @!p0 $0x0  }
0x48: {  	[sflag:s0] =	ssyncadd.s32 @!p0 s1  }
0x49: {  	[bflag:$0x3] =	sbarrier.arrive $0xFFFF  }
0x4a: {  	_ =	shalt  }

</sc_bundles>
